<compile_context>
chip_gen: v7x
topology: tpu7x:2x2x1
jax: 0.10.2.dev20260603
libtpu: 0.0.44.dev20260713+nightly
codegen_flags: <defaults>
</compile_context>

<pallas_src>
import functools

import jax
import jax.numpy as jnp
from jax import lax
from jax.experimental import pallas as pl
from jax.experimental.pallas import tpu as pltpu
from jax.experimental.pallas import tpu_sc as plsc

H = 8
C = 16
ACC_W = H * C + 16

NC = 2
NS = 16
NW = NC * NS
CH = 50


def _take16(v, idx):
    return lax.gather(
        v, idx[:, None],
        dimension_numbers=lax.GatherDimensionNumbers(
            offset_dims=(), collapsed_slice_dims=(0,), start_index_map=(0,)),
        slice_sizes=(1,),
        mode=lax.GatherScatterMode.PROMISE_IN_BOUNDS)


def _mm_body(x_ref, wt_ref, alr_ref, feat_ref, t_ref):
    f = jnp.dot(x_ref[...], wt_ref[...],
                preferred_element_type=jnp.float32,
                precision=lax.Precision.HIGHEST)
    feat_ref[...] = f
    t_ref[...] = jnp.dot(f, alr_ref[...],
                         preferred_element_type=jnp.float32,
                         precision=lax.Precision.HIGHEST)


def _project(x, wt, alr):
    n, d = x.shape
    blk = 2000
    grid = (n // blk,)
    return pl.pallas_call(
        _mm_body,
        grid=grid,
        in_specs=[
            pl.BlockSpec((blk, d), lambda i: (i, 0)),
            pl.BlockSpec((d, d), lambda i: (0, 0)),
            pl.BlockSpec((d, 2 * H), lambda i: (0, 0)),
        ],
        out_specs=[
            pl.BlockSpec((blk, d), lambda i: (i, 0)),
            pl.BlockSpec((blk, 2 * H), lambda i: (i, 0)),
        ],
        out_shape=[
            jax.ShapeDtypeStruct((n, d), jnp.float32),
            jax.ShapeDtypeStruct((n, 2 * H), jnp.float32),
        ],
    )(x, wt, alr)


def _sc_aggregate(feat, t, sd3d, zrows):
    n, d = feat.shape
    _, nch, _, ch = sd3d.shape
    npad = ((n + 2047) // 2048) * 2048
    rows_per_sub = npad // NS
    assert nch % 4 == 0

    mesh = plsc.VectorSubcoreMesh(core_axis_name="c", subcore_axis_name="s")

    @functools.partial(
        pl.kernel,
        mesh=mesh,
        compiler_params=pltpu.CompilerParams(use_tc_tiling_on_sc=False),
        out_type=jax.ShapeDtypeStruct((NC, npad, ACC_W), jnp.float32),
        scratch_types=[
            [pltpu.VMEM((2, ch), jnp.int32)] * 4,
            [pltpu.VMEM((ch, 2 * H), jnp.float32)] * 2,
            [pltpu.VMEM((ch, 2 * H), jnp.float32)] * 2,
            [pltpu.VMEM((ch, d), jnp.float32)] * 2,
            [pltpu.VMEM((ch, ACC_W), jnp.float32)] * 2,
            pltpu.VMEM_SHARED((npad, ACC_W), jnp.float32),
            [pltpu.SemaphoreType.DMA] * 2,
            [pltpu.SemaphoreType.DMA] * 2,
            pltpu.SemaphoreType.DMA,
        ],
    )
    def sc_gat(feat_hbm, t_hbm, sd_hbm, z_hbm, acc_hbm,
               sd4, ts2, td2, fb2, mb2, accsh, gsem2, ssem2, isem):
        cidx = lax.axis_index("c")
        sidx = lax.axis_index("s")
        wid = sidx * NC + cidx

        pltpu.sync_copy(z_hbm, accsh.at[pl.ds(sidx * rows_per_sub, rows_per_sub)])
        pltpu.sync_copy(sd_hbm.at[wid, 0], sd4[0])
        pltpu.sync_copy(sd_hbm.at[wid, 1], sd4[1])
        plsc.subcore_barrier()

        lane = jnp.arange(16, dtype=jnp.int32)
        rot = (lane + 8) & 15
        lane_lt8 = lane < H

        def start_gathers(b, sd):
            pltpu.async_copy(t_hbm.at[sd.at[0]], ts2[b], gsem2[b])
            pltpu.async_copy(t_hbm.at[sd.at[1]], td2[b], gsem2[b])
            pltpu.async_copy(feat_hbm.at[sd.at[0]], fb2[b], gsem2[b])

        def wait_gathers(b, sd):
            pltpu.make_async_copy(t_hbm.at[sd.at[0]], ts2[b], gsem2[b]).wait()
            pltpu.make_async_copy(t_hbm.at[sd.at[1]], td2[b], gsem2[b]).wait()
            pltpu.make_async_copy(feat_hbm.at[sd.at[0]], fb2[b], gsem2[b]).wait()

        def drain_scatter(b, sd):
            pltpu.make_async_copy(mb2[b], accsh.at[sd.at[1]], ssem2[b]).wait()

        def compute(b, sd):
            ts, td, fb, mb = ts2[b], td2[b], fb2[b], mb2[b]

            @pl.loop(0, ch)
            def _edge(i):
                vs = ts[i]
                vd = td[i]
                el_er = vs + _take16(vd, rot)
                lrelu = jnp.where(el_er > 0, el_er, el_er * 0.2)
                w = jnp.exp(lrelu)
                w = jnp.where(lane_lt8, w, 0.0)
                mb[i, pl.ds(H * C, 16)] = w
                for h in range(H):
                    bh = _take16(w, jnp.full((16,), h, jnp.int32))
                    mb[i, pl.ds(h * C, C)] = fb[i, pl.ds(h * C, C)] * bh

            pltpu.async_copy(mb, accsh.at[sd.at[1]], ssem2[b], add=True)

        start_gathers(0, sd4[0])

        @pl.loop(0, nch // 4)
        def _quad(jj):
            for s in range(4):
                k = 4 * jj + s
                b = s % 2

                @pl.when(k >= 2)
                def _():
                    drain_scatter(b, sd4[(s + 2) % 4])

                @pl.when(k + 2 < nch)
                def _():
                    pltpu.async_copy(sd_hbm.at[wid, k + 2], sd4[(s + 2) % 4],
                                     isem)

                @pl.when((k + 1 >= 2) & (k + 1 < nch))
                def _():
                    pltpu.make_async_copy(sd_hbm.at[wid, k + 1],
                                          sd4[(s + 1) % 4], isem).wait()

                @pl.when(k + 1 < nch)
                def _():
                    start_gathers(1 - b, sd4[(s + 1) % 4])

                wait_gathers(b, sd4[s])
                compute(b, sd4[s])

        drain_scatter(nch % 2, sd4[(nch - 2) % 4])
        drain_scatter(1 - nch % 2, sd4[(nch - 1) % 4])
        plsc.subcore_barrier()
        pltpu.sync_copy(accsh.at[pl.ds(sidx * rows_per_sub, rows_per_sub)],
                        acc_hbm.at[cidx, pl.ds(sidx * rows_per_sub, rows_per_sub)])

    return sc_gat(feat, t, sd3d, zrows)


def _combine_body(acc_ref, s_ref, out_ref):
    a = acc_ref[0] + acc_ref[1]
    num = a[:, :H * C]
    den = jnp.dot(a, s_ref[...],
                  preferred_element_type=jnp.float32,
                  precision=lax.Precision.HIGHEST)
    out_ref[...] = num / (den + 1e-9)


def _combine(acc, s):
    _, n, aw = acc.shape
    blk = 1024
    grid = (n // blk,)
    return pl.pallas_call(
        _combine_body,
        grid=grid,
        in_specs=[
            pl.BlockSpec((NC, blk, aw), lambda i: (0, i, 0)),
            pl.BlockSpec((aw, H * C), lambda i: (0, 0)),
        ],
        out_specs=pl.BlockSpec((blk, H * C), lambda i: (i, 0)),
        out_shape=jax.ShapeDtypeStruct((n, H * C), jnp.float32),
    )(acc, s)


def kernel(x, edge_index, W, attn_l, attn_r):
    n, d = x.shape
    wt = W.T
    rep = jnp.repeat(jnp.eye(H, dtype=jnp.float32), C, axis=0)
    alr = jnp.concatenate(
        [rep * attn_l.reshape(-1, 1), rep * attn_r.reshape(-1, 1)], axis=1)

    feat, t = _project(x, wt, alr)

    npad = ((n + 2047) // 2048) * 2048
    zrows = jnp.zeros((npad // NS, ACC_W), jnp.float32)
    e = edge_index.shape[1]
    ew = e // NW
    sd3d = edge_index.reshape(2, NW, ew // CH, CH).transpose(1, 2, 0, 3)
    acc = _sc_aggregate(feat, t, sd3d, zrows)

    s = jnp.zeros((ACC_W, H * C), jnp.float32).at[H * C:H * C + H, :].set(rep.T)
    out = _combine(acc, s)
    return out[:n].reshape(n, H, C)

# --- scband reference (transcript-rebuilt; emitter-appended) ---
"""Pipeline reference for scband-gatlayer-58368605553169 (READ-ONLY COPY).

The authoritative reference and input builder live on the scoring server;
editing this copy changes nothing except your own understanding.
"""

import jax, jax.numpy as jnp
import numpy as np

N = 10000
E = 320000
D_IN = 128
H = 8
C = 16


def setup_inputs(seed: int = 0) -> dict:
    key = jax.random.key(seed)
    k1, k2, k3, k4, k5 = jax.random.split(key, 5)
    x = jax.random.normal(k1, (N, D_IN), dtype=jnp.float32)
    edge_index = jax.random.randint(k2, (2, E), 0, N, dtype=jnp.int32)
    # Learned parameters (xavier-normal-ish scaling)
    gain = float(np.sqrt(2.0))
    W = jax.random.normal(k3, (H * C, D_IN), dtype=jnp.float32) * (gain * np.sqrt(2.0 / (D_IN + H * C)))
    attn_l = jax.random.normal(k4, (1, H, C), dtype=jnp.float32) * (gain * np.sqrt(2.0 / (H * C + 1)))
    attn_r = jax.random.normal(k5, (1, H, C), dtype=jnp.float32) * (gain * np.sqrt(2.0 / (H * C + 1)))
    return {"x": x, "edge_index": edge_index, "W": W, "attn_l": attn_l, "attn_r": attn_r}


def reference(x, edge_index, W, attn_l, attn_r):
    src = edge_index[0]
    dst = edge_index[1]
    # linear projection (dropout p=0.0 -> identity)
    feat = (x @ W.T).reshape(N, H, C)  # [N, H, C]
    el = jnp.sum(feat * attn_l, axis=-1)  # [N, H]
    er = jnp.sum(feat * attn_r, axis=-1)  # [N, H]
    # u_add_v then LeakyReLU(0.2)
    e = el[src] + er[dst]  # [E, H]
    e = jnp.where(e > 0, e, 0.2 * e)
    # edge softmax grouped by destination node
    emax = jax.ops.segment_max(e, dst, num_segments=N)  # [N, H]
    emax = jnp.where(jnp.isfinite(emax), emax, 0.0)
    ex = jnp.exp(e - emax[dst])  # [E, H]
    esum = jax.ops.segment_sum(ex, dst, num_segments=N)  # [N, H]
    a = ex / (esum[dst] + 1e-9)  # [E, H]
    # u_mul_e message + sum aggregation
    m = feat[src] * a[:, :, None]  # [E, H, C]
    rst = jax.ops.segment_sum(m, dst, num_segments=N)  # [N, H, C]
    return rst

if __name__ == "__main__":
    import jax
    _d = setup_inputs()
    print(jax.jit(kernel)(*tuple(_d.values())))

</pallas_src>

<mosaic_0001>
#map = affine_map<(d0, d1) -> (0, 0)>
#map1 = affine_map<(d0, d1) -> (0, 0, 0, 0)>
#map2 = affine_map<(d0, d1) -> (0, 0, 0)>
module attributes {stable_mosaic.version = 14 : i64} {
  func.func @sc_gat(%arg0: i32, %arg1: i32, %arg2: memref<10000x128xf32, #tpu.memory_space<hbm>>, %arg3: memref<10000x16xf32, #tpu.memory_space<hbm>>, %arg4: memref<32x200x2x50xi32, #tpu.memory_space<hbm>>, %arg5: memref<640x144xf32, #tpu.memory_space<hbm>>, %arg6: memref<2x10240x144xf32, #tpu.memory_space<hbm>>, %arg7: memref<2x50xi32, #tpu.memory_space<vmem>>, %arg8: memref<2x50xi32, #tpu.memory_space<vmem>>, %arg9: memref<2x50xi32, #tpu.memory_space<vmem>>, %arg10: memref<2x50xi32, #tpu.memory_space<vmem>>, %arg11: memref<50x16xf32, #tpu.memory_space<vmem>>, %arg12: memref<50x16xf32, #tpu.memory_space<vmem>>, %arg13: memref<50x16xf32, #tpu.memory_space<vmem>>, %arg14: memref<50x16xf32, #tpu.memory_space<vmem>>, %arg15: memref<50x128xf32, #tpu.memory_space<vmem>>, %arg16: memref<50x128xf32, #tpu.memory_space<vmem>>, %arg17: memref<50x144xf32, #tpu.memory_space<vmem>>, %arg18: memref<50x144xf32, #tpu.memory_space<vmem>>, %arg19: memref<10240x144xf32, #tpu.memory_space<vmem_shared>>, %arg20: memref<!tpu.dma_semaphore, #tpu.memory_space<semaphore_mem>>, %arg21: memref<!tpu.dma_semaphore, #tpu.memory_space<semaphore_mem>>, %arg22: memref<!tpu.dma_semaphore, #tpu.memory_space<semaphore_mem>>, %arg23: memref<!tpu.dma_semaphore, #tpu.memory_space<semaphore_mem>>, %arg24: memref<!tpu.dma_semaphore, #tpu.memory_space<semaphore_mem>>) attributes {dimension_semantics = [#tpu.dimension_semantics<core_parallel>, #tpu.dimension_semantics<subcore_parallel>], iteration_bounds = array<i64: 2, 16>, scalar_prefetch = 0 : i64, scratch_operands = 18 : i64, tpu.core_type = #tpu.core_type<sc_vector_subcore>, window_params = [{transform_indices = #map}, {transform_indices = #map}, {transform_indices = #map1}, {transform_indices = #map}, {transform_indices = #map2}]} {
    %mul3A = arith.constant 2 : i32
    %mul3A_0 = arith.muli %arg1, %mul3A : i32
    %add3A = arith.addi %mul3A_0, %arg0 : i32
    %mul3A_1 = arith.constant 640 : i32
    %mul3A_2 = arith.muli %arg1, %mul3A_1 : i32
    "tpu.region"() ({
      %run_scoped3A_53 = tpu.sem_alloc : memref<!tpu.dma_semaphore, #tpu.memory_space<semaphore_mem>>
      %dma_start3A_54 = arith.constant 0 : i32
      %dma_start3A_55 = tpu.memref_slice %arg19[%mul3A_2, %dma_start3A_54] : memref<10240x144xf32, #tpu.memory_space<vmem_shared>> -> memref<640x144xf32, #tpu.memory_space<vmem_shared>>
      tpu.enqueue_dma source(%arg5 : memref<640x144xf32, #tpu.memory_space<hbm>>) target(%dma_start3A_55 : memref<640x144xf32, #tpu.memory_space<vmem_shared>>) target_semaphore(%run_scoped3A_53 : memref<!tpu.dma_semaphore, #tpu.memory_space<semaphore_mem>>)
      %dma_wait3A_56 = arith.constant 0 : i32
      %dma_wait3A_57 = tpu.memref_slice %arg19[%mul3A_2, %dma_wait3A_56] : memref<10240x144xf32, #tpu.memory_space<vmem_shared>> -> memref<640x144xf32, #tpu.memory_space<vmem_shared>>
      tpu.wait_dma2 semaphore(%run_scoped3A_53 : memref<!tpu.dma_semaphore, #tpu.memory_space<semaphore_mem>>) src(%arg5 : memref<640x144xf32, #tpu.memory_space<hbm>>) dst(%dma_wait3A_57 : memref<640x144xf32, #tpu.memory_space<vmem_shared>>)
      tpu.yield
    }) : () -> ()
    %run_scoped3A = arith.constant 0 : i32
    "tpu.region"() ({
      %run_scoped3A_53 = tpu.sem_alloc : memref<!tpu.dma_semaphore, #tpu.memory_space<semaphore_mem>>
      %dma_start3A_54 = arith.constant 0 : i32
      %dma_start3A_55 = arith.constant 0 : i32
      %dma_start3A_56 = tpu.memref_slice %arg4[%add3A, %run_scoped3A, %dma_start3A_54, %dma_start3A_55] : memref<32x200x2x50xi32, #tpu.memory_space<hbm>> -> memref<1x1x2x50xi32, #tpu.memory_space<hbm>>
      %dma_start3A_57 = tpu.memref_squeeze %dma_start3A_56 : memref<1x1x2x50xi32, #tpu.memory_space<hbm>> -> memref<2x50xi32, #tpu.memory_space<hbm>>
      %dma_start3A_58 = arith.constant 0 : i32
      %dma_start3A_59 = arith.constant 0 : i32
      %dma_start3A_60 = tpu.memref_slice %arg4[%add3A, %run_scoped3A, %dma_start3A_58, %dma_start3A_59] : memref<32x200x2x50xi32, #tpu.memory_space<hbm>> -> memref<1x1x2x50xi32, #tpu.memory_space<hbm>>
      %dma_start3A_61 = tpu.memref_squeeze %dma_start3A_60 : memref<1x1x2x50xi32, #tpu.memory_space<hbm>> -> memref<2x50xi32, #tpu.memory_space<hbm>>
      tpu.enqueue_dma source(%dma_start3A_61 : memref<2x50xi32, #tpu.memory_space<hbm>>) target(%arg7 : memref<2x50xi32, #tpu.memory_space<vmem>>) target_semaphore(%run_scoped3A_53 : memref<!tpu.dma_semaphore, #tpu.memory_space<semaphore_mem>>)
      %dma_wait3A_62 = arith.constant 0 : i32
      %dma_wait3A_63 = arith.constant 0 : i32
      %dma_wait3A_64 = tpu.memref_slice %arg4[%add3A, %run_scoped3A, %dma_wait3A_62, %dma_wait3A_63] : memref<32x200x2x50xi32, #tpu.memory_space<hbm>> -> memref<1x1x2x50xi32, #tpu.memory_space<hbm>>
      %dma_wait3A_65 = tpu.memref_squeeze %dma_wait3A_64 : memref<1x1x2x50xi32, #tpu.memory_space<hbm>> -> memref<2x50xi32, #tpu.memory_space<hbm>>
      %dma_wait3A_66 = arith.constant 0 : i32
      %dma_wait3A_67 = arith.constant 0 : i32
      %dma_wait3A_68 = tpu.memref_slice %arg4[%add3A, %run_scoped3A, %dma_wait3A_66, %dma_wait3A_67] : memref<32x200x2x50xi32, #tpu.memory_space<hbm>> -> memref<1x1x2x50xi32, #tpu.memory_space<hbm>>
      %dma_wait3A_69 = tpu.memref_squeeze %dma_wait3A_68 : memref<1x1x2x50xi32, #tpu.memory_space<hbm>> -> memref<2x50xi32, #tpu.memory_space<hbm>>
      tpu.wait_dma2 semaphore(%run_scoped3A_53 : memref<!tpu.dma_semaphore, #tpu.memory_space<semaphore_mem>>) src(%dma_wait3A_69 : memref<2x50xi32, #tpu.memory_space<hbm>>) dst(%arg7 : memref<2x50xi32, #tpu.memory_space<vmem>>)
      tpu.yield
    }) : () -> ()
    %run_scoped3A_3 = arith.constant 1 : i32
    "tpu.region"() ({
      %run_scoped3A_53 = tpu.sem_alloc : memref<!tpu.dma_semaphore, #tpu.memory_space<semaphore_mem>>
      %dma_start3A_54 = arith.constant 0 : i32
      %dma_start3A_55 = arith.constant 0 : i32
      %dma_start3A_56 = tpu.memref_slice %arg4[%add3A, %run_scoped3A_3, %dma_start3A_54, %dma_start3A_55] : memref<32x200x2x50xi32, #tpu.memory_space<hbm>> -> memref<1x1x2x50xi32, #tpu.memory_space<hbm>>
      %dma_start3A_57 = tpu.memref_squeeze %dma_start3A_56 : memref<1x1x2x50xi32, #tpu.memory_space<hbm>> -> memref<2x50xi32, #tpu.memory_space<hbm>>
      %dma_start3A_58 = arith.constant 0 : i32
      %dma_start3A_59 = arith.constant 0 : i32
      %dma_start3A_60 = tpu.memref_slice %arg4[%add3A, %run_scoped3A_3, %dma_start3A_58, %dma_start3A_59] : memref<32x200x2x50xi32, #tpu.memory_space<hbm>> -> memref<1x1x2x50xi32, #tpu.memory_space<hbm>>
      %dma_start3A_61 = tpu.memref_squeeze %dma_start3A_60 : memref<1x1x2x50xi32, #tpu.memory_space<hbm>> -> memref<2x50xi32, #tpu.memory_space<hbm>>
      tpu.enqueue_dma source(%dma_start3A_61 : memref<2x50xi32, #tpu.memory_space<hbm>>) target(%arg8 : memref<2x50xi32, #tpu.memory_space<vmem>>) target_semaphore(%run_scoped3A_53 : memref<!tpu.dma_semaphore, #tpu.memory_space<semaphore_mem>>)
      %dma_wait3A_62 = arith.constant 0 : i32
      %dma_wait3A_63 = arith.constant 0 : i32
      %dma_wait3A_64 = tpu.memref_slice %arg4[%add3A, %run_scoped3A_3, %dma_wait3A_62, %dma_wait3A_63] : memref<32x200x2x50xi32, #tpu.memory_space<hbm>> -> memref<1x1x2x50xi32, #tpu.memory_space<hbm>>
      %dma_wait3A_65 = tpu.memref_squeeze %dma_wait3A_64 : memref<1x1x2x50xi32, #tpu.memory_space<hbm>> -> memref<2x50xi32, #tpu.memory_space<hbm>>
      %dma_wait3A_66 = arith.constant 0 : i32
      %dma_wait3A_67 = arith.constant 0 : i32
      %dma_wait3A_68 = tpu.memref_slice %arg4[%add3A, %run_scoped3A_3, %dma_wait3A_66, %dma_wait3A_67] : memref<32x200x2x50xi32, #tpu.memory_space<hbm>> -> memref<1x1x2x50xi32, #tpu.memory_space<hbm>>
      %dma_wait3A_69 = tpu.memref_squeeze %dma_wait3A_68 : memref<1x1x2x50xi32, #tpu.memory_space<hbm>> -> memref<2x50xi32, #tpu.memory_space<hbm>>
      tpu.wait_dma2 semaphore(%run_scoped3A_53 : memref<!tpu.dma_semaphore, #tpu.memory_space<semaphore_mem>>) src(%dma_wait3A_69 : memref<2x50xi32, #tpu.memory_space<hbm>>) dst(%arg8 : memref<2x50xi32, #tpu.memory_space<vmem>>)
      tpu.yield
    }) : () -> ()
    %barrier3A = arith.constant 0 : index
    tpu.barrier barrier_id(%barrier3A)
    %iota3A = tpu.iota {dimensions = array<i32: 0>} : vector<16xi32>
    %add3A_4 = arith.constant 8 : i32
    %add3A_5 = vector.broadcast %add3A_4 : i32 to vector<16xi32>
    %add3A_6 = arith.addi %iota3A, %add3A_5 : vector<16xi32>
    %and3A = arith.constant 15 : i32
    %and3A_7 = vector.broadcast %and3A : i32 to vector<16xi32>
    %and3A_8 = arith.andi %add3A_6, %and3A_7 : vector<16xi32>
    %lt3A = arith.constant 8 : i32
    %lt3A_9 = vector.broadcast %lt3A : i32 to vector<16xi32>
    %lt3A_10 = arith.cmpi slt, %iota3A, %lt3A_9 : vector<16xi32>
    %dma_start3A = arith.constant 0 : i32
    %dma_start3A_11 = arith.constant 0 : i32
    %dma_start3A_12 = tpu.memref_slice %arg7[%dma_start3A, %dma_start3A_11] : memref<2x50xi32, #tpu.memory_space<vmem>> -> memref<1x50xi32, #tpu.memory_space<vmem>>
    %dma_start3A_13 = tpu.memref_squeeze %dma_start3A_12 : memref<1x50xi32, #tpu.memory_space<vmem>> -> memref<50xi32, #tpu.memory_space<vmem>>
    %dma_start3A_14 = arith.constant 0 : i32
    %dma_start3A_15 = arith.constant 0 : i32
    %dma_start3A_16 = tpu.memref_slice %arg3[%dma_start3A_14, %dma_start3A_15] : memref<10000x16xf32, #tpu.memory_space<hbm>> -> memref<10000x16xf32, #tpu.memory_space<hbm>>
    tpu.enqueue_indirect_dma source(%dma_start3A_16 : memref<10000x16xf32, #tpu.memory_space<hbm>>) target(%arg11 : memref<50x16xf32, #tpu.memory_space<vmem>>) offsets(%dma_start3A_13 : memref<50xi32, #tpu.memory_space<vmem>>) semaphore(%arg20 : memref<!tpu.dma_semaphore, #tpu.memory_space<semaphore_mem>>)
    %dma_start3A_17 = arith.constant 1 : i32
    %dma_start3A_18 = arith.constant 0 : i32
    %dma_start3A_19 = tpu.memref_slice %arg7[%dma_start3A_17, %dma_start3A_18] : memref<2x50xi32, #tpu.memory_space<vmem>> -> memref<1x50xi32, #tpu.memory_space<vmem>>
    %dma_start3A_20 = tpu.memref_squeeze %dma_start3A_19 : memref<1x50xi32, #tpu.memory_space<vmem>> -> memref<50xi32, #tpu.memory_space<vmem>>
    %dma_start3A_21 = arith.constant 0 : i32
    %dma_start3A_22 = arith.constant 0 : i32
    %dma_start3A_23 = tpu.memref_slice %arg3[%dma_start3A_21, %dma_start3A_22] : memref<10000x16xf32, #tpu.memory_space<hbm>> -> memref<10000x16xf32, #tpu.memory_space<hbm>>
    tpu.enqueue_indirect_dma source(%dma_start3A_23 : memref<10000x16xf32, #tpu.memory_space<hbm>>) target(%arg13 : memref<50x16xf32, #tpu.memory_space<vmem>>) offsets(%dma_start3A_20 : memref<50xi32, #tpu.memory_space<vmem>>) semaphore(%arg20 : memref<!tpu.dma_semaphore, #tpu.memory_space<semaphore_mem>>)
    %dma_start3A_24 = arith.constant 0 : i32
    %dma_start3A_25 = arith.constant 0 : i32
    %dma_start3A_26 = tpu.memref_slice %arg7[%dma_start3A_24, %dma_start3A_25] : memref<2x50xi32, #tpu.memory_space<vmem>> -> memref<1x50xi32, #tpu.memory_space<vmem>>
    %dma_start3A_27 = tpu.memref_squeeze %dma_start3A_26 : memref<1x50xi32, #tpu.memory_space<vmem>> -> memref<50xi32, #tpu.memory_space<vmem>>
    %dma_start3A_28 = arith.constant 0 : i32
    %dma_start3A_29 = arith.constant 0 : i32
    %dma_start3A_30 = tpu.memref_slice %arg2[%dma_start3A_28, %dma_start3A_29] : memref<10000x128xf32, #tpu.memory_space<hbm>> -> memref<10000x128xf32, #tpu.memory_space<hbm>>
    tpu.enqueue_indirect_dma source(%dma_start3A_30 : memref<10000x128xf32, #tpu.memory_space<hbm>>) target(%arg15 : memref<50x128xf32, #tpu.memory_space<vmem>>) offsets(%dma_start3A_27 : memref<50xi32, #tpu.memory_space<vmem>>) semaphore(%arg20 : memref<!tpu.dma_semaphore, #tpu.memory_space<semaphore_mem>>)
    %scan3A = arith.constant 0 : i32
    %scan3A_31 = arith.constant 50 : i32
    %scan3A_32 = arith.addi %scan3A, %scan3A_31 : i32
    %scan3A_33 = arith.constant 1 : i32
    scf.for %scan3A_53 = %scan3A to %scan3A_32 step %scan3A_33  : i32 {
      %mul3A_54 = arith.constant 1 : i32
      %mul3A_55 = arith.muli %scan3A_53, %mul3A_54 : i32
      %add3A_56 = arith.constant 0 : i32
      %add3A_57 = arith.addi %add3A_56, %mul3A_55 : i32
      %mul3A_58 = arith.constant 4 : i32
      %mul3A_59 = arith.muli %mul3A_58, %add3A_57 : i32
      %add3A_60 = arith.constant 0 : i32
      %add3A_61 = arith.addi %mul3A_59, %add3A_60 : i32
      %ge3A = arith.constant 2 : i32
      %ge3A_62 = arith.cmpi sge, %add3A_61, %ge3A : i32
      %convert_element_type3A = arith.extui %ge3A_62 : i1 to i32
      %cond3A = arith.constant 0 : i32
      %cond3A_63 = arith.cmpi ne, %convert_element_type3A, %cond3A : i32
      scf.if %cond3A_63 {
        %dma_wait3A_327 = arith.constant 1 : i32
        %dma_wait3A_328 = arith.constant 0 : i32
        %dma_wait3A_329 = tpu.memref_slice %arg9[%dma_wait3A_327, %dma_wait3A_328] : memref<2x50xi32, #tpu.memory_space<vmem>> -> memref<1x50xi32, #tpu.memory_space<vmem>>
        %dma_wait3A_330 = tpu.memref_squeeze %dma_wait3A_329 : memref<1x50xi32, #tpu.memory_space<vmem>> -> memref<50xi32, #tpu.memory_space<vmem>>
        %dma_wait3A_331 = arith.constant 0 : i32
        %dma_wait3A_332 = arith.constant 0 : i32
        %dma_wait3A_333 = tpu.memref_slice %arg19[%dma_wait3A_331, %dma_wait3A_332] : memref<10240x144xf32, #tpu.memory_space<vmem_shared>> -> memref<10240x144xf32, #tpu.memory_space<vmem_shared>>
        tpu.wait_indirect_dma semaphore(%arg22 : memref<!tpu.dma_semaphore, #tpu.memory_space<semaphore_mem>>) src(%arg17 : memref<50x144xf32, #tpu.memory_space<vmem>>) dst(%dma_wait3A_333 : memref<10240x144xf32, #tpu.memory_space<vmem_shared>>)
      } else {
      }
      %add3A_64 = arith.constant 2 : i32
      %add3A_65 = arith.addi %add3A_61, %add3A_64 : i32
      %lt3A_66 = arith.constant 200 : i32
      %lt3A_67 = arith.cmpi slt, %add3A_65, %lt3A_66 : i32
      %convert_element_type3A_68 = arith.extui %lt3A_67 : i1 to i32
      %cond3A_69 = arith.constant 0 : i32
      %cond3A_70 = arith.cmpi ne, %convert_element_type3A_68, %cond3A_69 : i32
      scf.if %cond3A_70 {
        %add3A_327 = arith.constant 2 : i32
        %add3A_328 = arith.addi %add3A_61, %add3A_327 : i32
        %dma_start3A_329 = arith.constant 0 : i32
        %dma_start3A_330 = arith.constant 0 : i32
        %dma_start3A_331 = tpu.memref_slice %arg4[%add3A, %add3A_328, %dma_start3A_329, %dma_start3A_330] : memref<32x200x2x50xi32, #tpu.memory_space<hbm>> -> memref<1x1x2x50xi32, #tpu.memory_space<hbm>>
        %dma_start3A_332 = tpu.memref_squeeze %dma_start3A_331 : memref<1x1x2x50xi32, #tpu.memory_space<hbm>> -> memref<2x50xi32, #tpu.memory_space<hbm>>
        %dma_start3A_333 = arith.constant 0 : i32
        %dma_start3A_334 = arith.constant 0 : i32
        %dma_start3A_335 = tpu.memref_slice %arg4[%add3A, %add3A_328, %dma_start3A_333, %dma_start3A_334] : memref<32x200x2x50xi32, #tpu.memory_space<hbm>> -> memref<1x1x2x50xi32, #tpu.memory_space<hbm>>
        %dma_start3A_336 = tpu.memref_squeeze %dma_start3A_335 : memref<1x1x2x50xi32, #tpu.memory_space<hbm>> -> memref<2x50xi32, #tpu.memory_space<hbm>>
        tpu.enqueue_dma source(%dma_start3A_336 : memref<2x50xi32, #tpu.memory_space<hbm>>) target(%arg9 : memref<2x50xi32, #tpu.memory_space<vmem>>) target_semaphore(%arg24 : memref<!tpu.dma_semaphore, #tpu.memory_space<semaphore_mem>>)
      } else {
      }
      %add3A_71 = arith.constant 1 : i32
      %add3A_72 = arith.addi %add3A_61, %add3A_71 : i32
      %ge3A_73 = arith.constant 2 : i32
      %ge3A_74 = arith.cmpi sge, %add3A_72, %ge3A_73 : i32
      %add3A_75 = arith.constant 1 : i32
      %add3A_76 = arith.addi %add3A_61, %add3A_75 : i32
      %lt3A_77 = arith.constant 200 : i32
      %lt3A_78 = arith.cmpi slt, %add3A_76, %lt3A_77 : i32
      %and3A_79 = arith.andi %ge3A_74, %lt3A_78 : i1
      %convert_element_type3A_80 = arith.extui %and3A_79 : i1 to i32
      %cond3A_81 = arith.constant 0 : i32
      %cond3A_82 = arith.cmpi ne, %convert_element_type3A_80, %cond3A_81 : i32
      scf.if %cond3A_82 {
        %add3A_327 = arith.constant 1 : i32
        %add3A_328 = arith.addi %add3A_61, %add3A_327 : i32
        %dma_wait3A_329 = arith.constant 0 : i32
        %dma_wait3A_330 = arith.constant 0 : i32
        %dma_wait3A_331 = tpu.memref_slice %arg4[%add3A, %add3A_328, %dma_wait3A_329, %dma_wait3A_330] : memref<32x200x2x50xi32, #tpu.memory_space<hbm>> -> memref<1x1x2x50xi32, #tpu.memory_space<hbm>>
        %dma_wait3A_332 = tpu.memref_squeeze %dma_wait3A_331 : memref<1x1x2x50xi32, #tpu.memory_space<hbm>> -> memref<2x50xi32, #tpu.memory_space<hbm>>
        %dma_wait3A_333 = arith.constant 0 : i32
        %dma_wait3A_334 = arith.constant 0 : i32
        %dma_wait3A_335 = tpu.memref_slice %arg4[%add3A, %add3A_328, %dma_wait3A_333, %dma_wait3A_334] : memref<32x200x2x50xi32, #tpu.memory_space<hbm>> -> memref<1x1x2x50xi32, #tpu.memory_space<hbm>>
        %dma_wait3A_336 = tpu.memref_squeeze %dma_wait3A_335 : memref<1x1x2x50xi32, #tpu.memory_space<hbm>> -> memref<2x50xi32, #tpu.memory_space<hbm>>
        tpu.wait_dma2 semaphore(%arg24 : memref<!tpu.dma_semaphore, #tpu.memory_space<semaphore_mem>>) src(%dma_wait3A_336 : memref<2x50xi32, #tpu.memory_space<hbm>>) dst(%arg8 : memref<2x50xi32, #tpu.memory_space<vmem>>)
      } else {
      }
      %add3A_83 = arith.constant 1 : i32
      %add3A_84 = arith.addi %add3A_61, %add3A_83 : i32
      %lt3A_85 = arith.constant 200 : i32
      %lt3A_86 = arith.cmpi slt, %add3A_84, %lt3A_85 : i32
      %convert_element_type3A_87 = arith.extui %lt3A_86 : i1 to i32
      %cond3A_88 = arith.constant 0 : i32
      %cond3A_89 = arith.cmpi ne, %convert_element_type3A_87, %cond3A_88 : i32
      scf.if %cond3A_89 {
        %dma_start3A_327 = arith.constant 0 : i32
        %dma_start3A_328 = arith.constant 0 : i32
        %dma_start3A_329 = tpu.memref_slice %arg8[%dma_start3A_327, %dma_start3A_328] : memref<2x50xi32, #tpu.memory_space<vmem>> -> memref<1x50xi32, #tpu.memory_space<vmem>>
        %dma_start3A_330 = tpu.memref_squeeze %dma_start3A_329 : memref<1x50xi32, #tpu.memory_space<vmem>> -> memref<50xi32, #tpu.memory_space<vmem>>
        %dma_start3A_331 = arith.constant 0 : i32
        %dma_start3A_332 = arith.constant 0 : i32
        %dma_start3A_333 = tpu.memref_slice %arg3[%dma_start3A_331, %dma_start3A_332] : memref<10000x16xf32, #tpu.memory_space<hbm>> -> memref<10000x16xf32, #tpu.memory_space<hbm>>
        tpu.enqueue_indirect_dma source(%dma_start3A_333 : memref<10000x16xf32, #tpu.memory_space<hbm>>) target(%arg12 : memref<50x16xf32, #tpu.memory_space<vmem>>) offsets(%dma_start3A_330 : memref<50xi32, #tpu.memory_space<vmem>>) semaphore(%arg21 : memref<!tpu.dma_semaphore, #tpu.memory_space<semaphore_mem>>)
        %dma_start3A_334 = arith.constant 1 : i32
        %dma_start3A_335 = arith.constant 0 : i32
        %dma_start3A_336 = tpu.memref_slice %arg8[%dma_start3A_334, %dma_start3A_335] : memref<2x50xi32, #tpu.memory_space<vmem>> -> memref<1x50xi32, #tpu.memory_space<vmem>>
        %dma_start3A_337 = tpu.memref_squeeze %dma_start3A_336 : memref<1x50xi32, #tpu.memory_space<vmem>> -> memref<50xi32, #tpu.memory_space<vmem>>
        %dma_start3A_338 = arith.constant 0 : i32
        %dma_start3A_339 = arith.constant 0 : i32
        %dma_start3A_340 = tpu.memref_slice %arg3[%dma_start3A_338, %dma_start3A_339] : memref<10000x16xf32, #tpu.memory_space<hbm>> -> memref<10000x16xf32, #tpu.memory_space<hbm>>
        tpu.enqueue_indirect_dma source(%dma_start3A_340 : memref<10000x16xf32, #tpu.memory_space<hbm>>) target(%arg14 : memref<50x16xf32, #tpu.memory_space<vmem>>) offsets(%dma_start3A_337 : memref<50xi32, #tpu.memory_space<vmem>>) semaphore(%arg21 : memref<!tpu.dma_semaphore, #tpu.memory_space<semaphore_mem>>)
        %dma_start3A_341 = arith.constant 0 : i32
        %dma_start3A_342 = arith.constant 0 : i32
        %dma_start3A_343 = tpu.memref_slice %arg8[%dma_start3A_341, %dma_start3A_342] : memref<2x50xi32, #tpu.memory_space<vmem>> -> memref<1x50xi32, #tpu.memory_space<vmem>>
        %dma_start3A_344 = tpu.memref_squeeze %dma_start3A_343 : memref<1x50xi32, #tpu.memory_space<vmem>> -> memref<50xi32, #tpu.memory_space<vmem>>
        %dma_start3A_345 = arith.constant 0 : i32
        %dma_start3A_346 = arith.constant 0 : i32
        %dma_start3A_347 = tpu.memref_slice %arg2[%dma_start3A_345, %dma_start3A_346] : memref<10000x128xf32, #tpu.memory_space<hbm>> -> memref<10000x128xf32, #tpu.memory_space<hbm>>
        tpu.enqueue_indirect_dma source(%dma_start3A_347 : memref<10000x128xf32, #tpu.memory_space<hbm>>) target(%arg16 : memref<50x128xf32, #tpu.memory_space<vmem>>) offsets(%dma_start3A_344 : memref<50xi32, #tpu.memory_space<vmem>>) semaphore(%arg21 : memref<!tpu.dma_semaphore, #tpu.memory_space<semaphore_mem>>)
      } else {
      }
      %dma_wait3A_90 = arith.constant 0 : i32
      %dma_wait3A_91 = arith.constant 0 : i32
      %dma_wait3A_92 = tpu.memref_slice %arg7[%dma_wait3A_90, %dma_wait3A_91] : memref<2x50xi32, #tpu.memory_space<vmem>> -> memref<1x50xi32, #tpu.memory_space<vmem>>
      %dma_wait3A_93 = tpu.memref_squeeze %dma_wait3A_92 : memref<1x50xi32, #tpu.memory_space<vmem>> -> memref<50xi32, #tpu.memory_space<vmem>>
      %dma_wait3A_94 = arith.constant 0 : i32
      %dma_wait3A_95 = arith.constant 0 : i32
      %dma_wait3A_96 = tpu.memref_slice %arg3[%dma_wait3A_94, %dma_wait3A_95] : memref<10000x16xf32, #tpu.memory_space<hbm>> -> memref<10000x16xf32, #tpu.memory_space<hbm>>
      tpu.wait_indirect_dma semaphore(%arg20 : memref<!tpu.dma_semaphore, #tpu.memory_space<semaphore_mem>>) src(%dma_wait3A_96 : memref<10000x16xf32, #tpu.memory_space<hbm>>) dst(%arg11 : memref<50x16xf32, #tpu.memory_space<vmem>>)
      %dma_wait3A_97 = arith.constant 1 : i32
      %dma_wait3A_98 = arith.constant 0 : i32
      %dma_wait3A_99 = tpu.memref_slice %arg7[%dma_wait3A_97, %dma_wait3A_98] : memref<2x50xi32, #tpu.memory_space<vmem>> -> memref<1x50xi32, #tpu.memory_space<vmem>>
      %dma_wait3A_100 = tpu.memref_squeeze %dma_wait3A_99 : memref<1x50xi32, #tpu.memory_space<vmem>> -> memref<50xi32, #tpu.memory_space<vmem>>
      %dma_wait3A_101 = arith.constant 0 : i32
      %dma_wait3A_102 = arith.constant 0 : i32
      %dma_wait3A_103 = tpu.memref_slice %arg3[%dma_wait3A_101, %dma_wait3A_102] : memref<10000x16xf32, #tpu.memory_space<hbm>> -> memref<10000x16xf32, #tpu.memory_space<hbm>>
      tpu.wait_indirect_dma semaphore(%arg20 : memref<!tpu.dma_semaphore, #tpu.memory_space<semaphore_mem>>) src(%dma_wait3A_103 : memref<10000x16xf32, #tpu.memory_space<hbm>>) dst(%arg13 : memref<50x16xf32, #tpu.memory_space<vmem>>)
      %dma_wait3A_104 = arith.constant 0 : i32
      %dma_wait3A_105 = arith.constant 0 : i32
      %dma_wait3A_106 = tpu.memref_slice %arg7[%dma_wait3A_104, %dma_wait3A_105] : memref<2x50xi32, #tpu.memory_space<vmem>> -> memref<1x50xi32, #tpu.memory_space<vmem>>
      %dma_wait3A_107 = tpu.memref_squeeze %dma_wait3A_106 : memref<1x50xi32, #tpu.memory_space<vmem>> -> memref<50xi32, #tpu.memory_space<vmem>>
      %dma_wait3A_108 = arith.constant 0 : i32
      %dma_wait3A_109 = arith.constant 0 : i32
      %dma_wait3A_110 = tpu.memref_slice %arg2[%dma_wait3A_108, %dma_wait3A_109] : memref<10000x128xf32, #tpu.memory_space<hbm>> -> memref<10000x128xf32, #tpu.memory_space<hbm>>
      tpu.wait_indirect_dma semaphore(%arg20 : memref<!tpu.dma_semaphore, #tpu.memory_space<semaphore_mem>>) src(%dma_wait3A_110 : memref<10000x128xf32, #tpu.memory_space<hbm>>) dst(%arg15 : memref<50x128xf32, #tpu.memory_space<vmem>>)
      %scan3A_111 = arith.constant 0 : i32
      %scan3A_112 = arith.constant 50 : i32
      %scan3A_113 = arith.addi %scan3A_111, %scan3A_112 : i32
      %scan3A_114 = arith.constant 1 : i32
      scf.for %scan3A_327 = %scan3A_111 to %scan3A_113 step %scan3A_114  : i32 {
        %mul3A_328 = arith.constant 1 : i32
        %mul3A_329 = arith.muli %scan3A_327, %mul3A_328 : i32
        %add3A_330 = arith.constant 0 : i32
        %add3A_331 = arith.addi %add3A_330, %mul3A_329 : i32
        %get3A = arith.index_cast %add3A_331 : i32 to index
        %get3A_332 = arith.constant 0 : index
        %get3A_333 = tpu.vector_load %arg11[%get3A, %get3A_332] {strides = array<i32>} : memref<50x16xf32, #tpu.memory_space<vmem>>, vector<1x16xf32>,
        %get3A_334 = vector.shape_cast %get3A_333 : vector<1x16xf32> to vector<16xf32>
        %get3A_335 = arith.index_cast %add3A_331 : i32 to index
        %get3A_336 = arith.constant 0 : index
        %get3A_337 = tpu.vector_load %arg13[%get3A_335, %get3A_336] {strides = array<i32>} : memref<50x16xf32, #tpu.memory_space<vmem>>, vector<1x16xf32>,
        %get3A_338 = vector.shape_cast %get3A_337 : vector<1x16xf32> to vector<16xf32>
        %broadcast_in_dim3A = vector.shape_cast %and3A_8 : vector<16xi32> to vector<16x1xi32>
        %gather3A = vector.shape_cast %broadcast_in_dim3A : vector<16x1xi32> to vector<16xi32>
        %gather3A_339 = tpu.dynamic_gather %get3A_338[%gather3A] in [0] : vector<16xf32>, vector<16xi32> -> vector<16xf32>
        %add3A_340 = arith.addf %get3A_334, %gather3A_339 : vector<16xf32>
        %gt3A = arith.constant 0.000000e+00 : f32
        %gt3A_341 = vector.broadcast %gt3A : f32 to vector<16xf32>
        %gt3A_342 = arith.cmpf ogt, %add3A_340, %gt3A_341 : vector<16xf32>
        %mul3A_343 = arith.constant 2.000000e-01 : f32
        %mul3A_344 = vector.broadcast %mul3A_343 : f32 to vector<16xf32>
        %mul3A_345 = arith.mulf %add3A_340, %mul3A_344 : vector<16xf32>
        %select_n3A = arith.select %gt3A_342, %add3A_340, %mul3A_345 : vector<16xi1>, vector<16xf32>
        %exp3A = math.exp %select_n3A : vector<16xf32>
        %jit3A = arith.constant 0.000000e+00 : f32
        %broadcast_in_dim3A_346 = vector.broadcast %jit3A : f32 to vector<16xf32>
        %select_n3A_347 = arith.select %lt3A_10, %exp3A, %broadcast_in_dim3A_346 : vector<16xi1>, vector<16xf32>
        %swap3A = arith.index_cast %add3A_331 : i32 to index
        %swap3A_348 = arith.constant 128 : index
        %swap3A_349 = tpu.vector_load %arg17[%swap3A, %swap3A_348] {strides = array<i32>} : memref<50x144xf32, #tpu.memory_space<vmem>>, vector<1x16xf32>,
        %swap3A_350 = vector.shape_cast %swap3A_349 : vector<1x16xf32> to vector<16xf32>
        %swap3A_351 = vector.shape_cast %select_n3A_347 : vector<16xf32> to vector<1x16xf32>
        tpu.vector_store %arg17[%swap3A, %swap3A_348], %swap3A_351 {strides = array<i32>} : memref<50x144xf32, #tpu.memory_space<vmem>>, vector<1x16xf32>,
        %broadcast_in_dim3A_352 = arith.constant 0 : i32
        %broadcast_in_dim3A_353 = vector.broadcast %broadcast_in_dim3A_352 : i32 to vector<16xi32>
        %broadcast_in_dim3A_354 = vector.shape_cast %broadcast_in_dim3A_353 : vector<16xi32> to vector<16x1xi32>
        %gather3A_355 = vector.shape_cast %broadcast_in_dim3A_354 : vector<16x1xi32> to vector<16xi32>
        %gather3A_356 = tpu.dynamic_gather %select_n3A_347[%gather3A_355] in [0] : vector<16xf32>, vector<16xi32> -> vector<16xf32>
        %get3A_357 = arith.index_cast %add3A_331 : i32 to index
        %get3A_358 = arith.constant 0 : index
        %get3A_359 = tpu.vector_load %arg15[%get3A_357, %get3A_358] {strides = array<i32>} : memref<50x128xf32, #tpu.memory_space<vmem>>, vector<1x16xf32>,
        %get3A_360 = vector.shape_cast %get3A_359 : vector<1x16xf32> to vector<16xf32>
        %mul3A_361 = arith.mulf %get3A_360, %gather3A_356 : vector<16xf32>
        %swap3A_362 = arith.index_cast %add3A_331 : i32 to index
        %swap3A_363 = arith.constant 0 : index
        %swap3A_364 = tpu.vector_load %arg17[%swap3A_362, %swap3A_363] {strides = array<i32>} : memref<50x144xf32, #tpu.memory_space<vmem>>, vector<1x16xf32>,
        %swap3A_365 = vector.shape_cast %swap3A_364 : vector<1x16xf32> to vector<16xf32>
        %swap3A_366 = vector.shape_cast %mul3A_361 : vector<16xf32> to vector<1x16xf32>
        tpu.vector_store %arg17[%swap3A_362, %swap3A_363], %swap3A_366 {strides = array<i32>} : memref<50x144xf32, #tpu.memory_space<vmem>>, vector<1x16xf32>,
        %broadcast_in_dim3A_367 = arith.constant 1 : i32
        %broadcast_in_dim3A_368 = vector.broadcast %broadcast_in_dim3A_367 : i32 to vector<16xi32>
        %broadcast_in_dim3A_369 = vector.shape_cast %broadcast_in_dim3A_368 : vector<16xi32> to vector<16x1xi32>
        %gather3A_370 = vector.shape_cast %broadcast_in_dim3A_369 : vector<16x1xi32> to vector<16xi32>
        %gather3A_371 = tpu.dynamic_gather %select_n3A_347[%gather3A_370] in [0] : vector<16xf32>, vector<16xi32> -> vector<16xf32>
        %get3A_372 = arith.index_cast %add3A_331 : i32 to index
        %get3A_373 = arith.constant 16 : index
        %get3A_374 = tpu.vector_load %arg15[%get3A_372, %get3A_373] {strides = array<i32>} : memref<50x128xf32, #tpu.memory_space<vmem>>, vector<1x16xf32>,
        %get3A_375 = vector.shape_cast %get3A_374 : vector<1x16xf32> to vector<16xf32>
        %mul3A_376 = arith.mulf %get3A_375, %gather3A_371 : vector<16xf32>
        %swap3A_377 = arith.index_cast %add3A_331 : i32 to index
        %swap3A_378 = arith.constant 16 : index
        %swap3A_379 = tpu.vector_load %arg17[%swap3A_377, %swap3A_378] {strides = array<i32>} : memref<50x144xf32, #tpu.memory_space<vmem>>, vector<1x16xf32>,
        %swap3A_380 = vector.shape_cast %swap3A_379 : vector<1x16xf32> to vector<16xf32>
        %swap3A_381 = vector.shape_cast %mul3A_376 : vector<16xf32> to vector<1x16xf32>
        tpu.vector_store %arg17[%swap3A_377, %swap3A_378], %swap3A_381 {strides = array<i32>} : memref<50x144xf32, #tpu.memory_space<vmem>>, vector<1x16xf32>,
        %broadcast_in_dim3A_382 = arith.constant 2 : i32
        %broadcast_in_dim3A_383 = vector.broadcast %broadcast_in_dim3A_382 : i32 to vector<16xi32>
        %broadcast_in_dim3A_384 = vector.shape_cast %broadcast_in_dim3A_383 : vector<16xi32> to vector<16x1xi32>
        %gather3A_385 = vector.shape_cast %broadcast_in_dim3A_384 : vector<16x1xi32> to vector<16xi32>
        %gather3A_386 = tpu.dynamic_gather %select_n3A_347[%gather3A_385] in [0] : vector<16xf32>, vector<16xi32> -> vector<16xf32>
        %get3A_387 = arith.index_cast %add3A_331 : i32 to index
        %get3A_388 = arith.constant 32 : index
        %get3A_389 = tpu.vector_load %arg15[%get3A_387, %get3A_388] {strides = array<i32>} : memref<50x128xf32, #tpu.memory_space<vmem>>, vector<1x16xf32>,
        %get3A_390 = vector.shape_cast %get3A_389 : vector<1x16xf32> to vector<16xf32>
        %mul3A_391 = arith.mulf %get3A_390, %gather3A_386 : vector<16xf32>
        %swap3A_392 = arith.index_cast %add3A_331 : i32 to index
        %swap3A_393 = arith.constant 32 : index
        %swap3A_394 = tpu.vector_load %arg17[%swap3A_392, %swap3A_393] {strides = array<i32>} : memref<50x144xf32, #tpu.memory_space<vmem>>, vector<1x16xf32>,
        %swap3A_395 = vector.shape_cast %swap3A_394 : vector<1x16xf32> to vector<16xf32>
        %swap3A_396 = vector.shape_cast %mul3A_391 : vector<16xf32> to vector<1x16xf32>
        tpu.vector_store %arg17[%swap3A_392, %swap3A_393], %swap3A_396 {strides = array<i32>} : memref<50x144xf32, #tpu.memory_space<vmem>>, vector<1x16xf32>,
        %broadcast_in_dim3A_397 = arith.constant 3 : i32
        %broadcast_in_dim3A_398 = vector.broadcast %broadcast_in_dim3A_397 : i32 to vector<16xi32>
        %broadcast_in_dim3A_399 = vector.shape_cast %broadcast_in_dim3A_398 : vector<16xi32> to vector<16x1xi32>
        %gather3A_400 = vector.shape_cast %broadcast_in_dim3A_399 : vector<16x1xi32> to vector<16xi32>
        %gather3A_401 = tpu.dynamic_gather %select_n3A_347[%gather3A_400] in [0] : vector<16xf32>, vector<16xi32> -> vector<16xf32>
        %get3A_402 = arith.index_cast %add3A_331 : i32 to index
        %get3A_403 = arith.constant 48 : index
        %get3A_404 = tpu.vector_load %arg15[%get3A_402, %get3A_403] {strides = array<i32>} : memref<50x128xf32, #tpu.memory_space<vmem>>, vector<1x16xf32>,
        %get3A_405 = vector.shape_cast %get3A_404 : vector<1x16xf32> to vector<16xf32>
        %mul3A_406 = arith.mulf %get3A_405, %gather3A_401 : vector<16xf32>
        %swap3A_407 = arith.index_cast %add3A_331 : i32 to index
        %swap3A_408 = arith.constant 48 : index
        %swap3A_409 = tpu.vector_load %arg17[%swap3A_407, %swap3A_408] {strides = array<i32>} : memref<50x144xf32, #tpu.memory_space<vmem>>, vector<1x16xf32>,
        %swap3A_410 = vector.shape_cast %swap3A_409 : vector<1x16xf32> to vector<16xf32>
        %swap3A_411 = vector.shape_cast %mul3A_406 : vector<16xf32> to vector<1x16xf32>
        tpu.vector_store %arg17[%swap3A_407, %swap3A_408], %swap3A_411 {strides = array<i32>} : memref<50x144xf32, #tpu.memory_space<vmem>>, vector<1x16xf32>,
        %broadcast_in_dim3A_412 = arith.constant 4 : i32
        %broadcast_in_dim3A_413 = vector.broadcast %broadcast_in_dim3A_412 : i32 to vector<16xi32>
        %broadcast_in_dim3A_414 = vector.shape_cast %broadcast_in_dim3A_413 : vector<16xi32> to vector<16x1xi32>
        %gather3A_415 = vector.shape_cast %broadcast_in_dim3A_414 : vector<16x1xi32> to vector<16xi32>
        %gather3A_416 = tpu.dynamic_gather %select_n3A_347[%gather3A_415] in [0] : vector<16xf32>, vector<16xi32> -> vector<16xf32>
        %get3A_417 = arith.index_cast %add3A_331 : i32 to index
        %get3A_418 = arith.constant 64 : index
        %get3A_419 = tpu.vector_load %arg15[%get3A_417, %get3A_418] {strides = array<i32>} : memref<50x128xf32, #tpu.memory_space<vmem>>, vector<1x16xf32>,
        %get3A_420 = vector.shape_cast %get3A_419 : vector<1x16xf32> to vector<16xf32>
        %mul3A_421 = arith.mulf %get3A_420, %gather3A_416 : vector<16xf32>
        %swap3A_422 = arith.index_cast %add3A_331 : i32 to index
        %swap3A_423 = arith.constant 64 : index
        %swap3A_424 = tpu.vector_load %arg17[%swap3A_422, %swap3A_423] {strides = array<i32>} : memref<50x144xf32, #tpu.memory_space<vmem>>, vector<1x16xf32>,
        %swap3A_425 = vector.shape_cast %swap3A_424 : vector<1x16xf32> to vector<16xf32>
        %swap3A_426 = vector.shape_cast %mul3A_421 : vector<16xf32> to vector<1x16xf32>
        tpu.vector_store %arg17[%swap3A_422, %swap3A_423], %swap3A_426 {strides = array<i32>} : memref<50x144xf32, #tpu.memory_space<vmem>>, vector<1x16xf32>,
        %broadcast_in_dim3A_427 = arith.constant 5 : i32
        %broadcast_in_dim3A_428 = vector.broadcast %broadcast_in_dim3A_427 : i32 to vector<16xi32>
        %broadcast_in_dim3A_429 = vector.shape_cast %broadcast_in_dim3A_428 : vector<16xi32> to vector<16x1xi32>
        %gather3A_430 = vector.shape_cast %broadcast_in_dim3A_429 : vector<16x1xi32> to vector<16xi32>
        %gather3A_431 = tpu.dynamic_gather %select_n3A_347[%gather3A_430] in [0] : vector<16xf32>, vector<16xi32> -> vector<16xf32>
        %get3A_432 = arith.index_cast %add3A_331 : i32 to index
        %get3A_433 = arith.constant 80 : index
        %get3A_434 = tpu.vector_load %arg15[%get3A_432, %get3A_433] {strides = array<i32>} : memref<50x128xf32, #tpu.memory_space<vmem>>, vector<1x16xf32>,
        %get3A_435 = vector.shape_cast %get3A_434 : vector<1x16xf32> to vector<16xf32>
        %mul3A_436 = arith.mulf %get3A_435, %gather3A_431 : vector<16xf32>
        %swap3A_437 = arith.index_cast %add3A_331 : i32 to index
        %swap3A_438 = arith.constant 80 : index
        %swap3A_439 = tpu.vector_load %arg17[%swap3A_437, %swap3A_438] {strides = array<i32>} : memref<50x144xf32, #tpu.memory_space<vmem>>, vector<1x16xf32>,
        %swap3A_440 = vector.shape_cast %swap3A_439 : vector<1x16xf32> to vector<16xf32>
        %swap3A_441 = vector.shape_cast %mul3A_436 : vector<16xf32> to vector<1x16xf32>
        tpu.vector_store %arg17[%swap3A_437, %swap3A_438], %swap3A_441 {strides = array<i32>} : memref<50x144xf32, #tpu.memory_space<vmem>>, vector<1x16xf32>,
        %broadcast_in_dim3A_442 = arith.constant 6 : i32
        %broadcast_in_dim3A_443 = vector.broadcast %broadcast_in_dim3A_442 : i32 to vector<16xi32>
        %broadcast_in_dim3A_444 = vector.shape_cast %broadcast_in_dim3A_443 : vector<16xi32> to vector<16x1xi32>
        %gather3A_445 = vector.shape_cast %broadcast_in_dim3A_444 : vector<16x1xi32> to vector<16xi32>
        %gather3A_446 = tpu.dynamic_gather %select_n3A_347[%gather3A_445] in [0] : vector<16xf32>, vector<16xi32> -> vector<16xf32>
        %get3A_447 = arith.index_cast %add3A_331 : i32 to index
        %get3A_448 = arith.constant 96 : index
        %get3A_449 = tpu.vector_load %arg15[%get3A_447, %get3A_448] {strides = array<i32>} : memref<50x128xf32, #tpu.memory_space<vmem>>, vector<1x16xf32>,
        %get3A_450 = vector.shape_cast %get3A_449 : vector<1x16xf32> to vector<16xf32>
        %mul3A_451 = arith.mulf %get3A_450, %gather3A_446 : vector<16xf32>
        %swap3A_452 = arith.index_cast %add3A_331 : i32 to index
        %swap3A_453 = arith.constant 96 : index
        %swap3A_454 = tpu.vector_load %arg17[%swap3A_452, %swap3A_453] {strides = array<i32>} : memref<50x144xf32, #tpu.memory_space<vmem>>, vector<1x16xf32>,
        %swap3A_455 = vector.shape_cast %swap3A_454 : vector<1x16xf32> to vector<16xf32>
        %swap3A_456 = vector.shape_cast %mul3A_451 : vector<16xf32> to vector<1x16xf32>
        tpu.vector_store %arg17[%swap3A_452, %swap3A_453], %swap3A_456 {strides = array<i32>} : memref<50x144xf32, #tpu.memory_space<vmem>>, vector<1x16xf32>,
        %broadcast_in_dim3A_457 = arith.constant 7 : i32
        %broadcast_in_dim3A_458 = vector.broadcast %broadcast_in_dim3A_457 : i32 to vector<16xi32>
        %broadcast_in_dim3A_459 = vector.shape_cast %broadcast_in_dim3A_458 : vector<16xi32> to vector<16x1xi32>
        %gather3A_460 = vector.shape_cast %broadcast_in_dim3A_459 : vector<16x1xi32> to vector<16xi32>
        %gather3A_461 = tpu.dynamic_gather %select_n3A_347[%gather3A_460] in [0] : vector<16xf32>, vector<16xi32> -> vector<16xf32>
        %get3A_462 = arith.index_cast %add3A_331 : i32 to index
        %get3A_463 = arith.constant 112 : index
        %get3A_464 = tpu.vector_load %arg15[%get3A_462, %get3A_463] {strides = array<i32>} : memref<50x128xf32, #tpu.memory_space<vmem>>, vector<1x16xf32>,
        %get3A_465 = vector.shape_cast %get3A_464 : vector<1x16xf32> to vector<16xf32>
        %mul3A_466 = arith.mulf %get3A_465, %gather3A_461 : vector<16xf32>
        %swap3A_467 = arith.index_cast %add3A_331 : i32 to index
        %swap3A_468 = arith.constant 112 : index
        %swap3A_469 = tpu.vector_load %arg17[%swap3A_467, %swap3A_468] {strides = array<i32>} : memref<50x144xf32, #tpu.memory_space<vmem>>, vector<1x16xf32>,
        %swap3A_470 = vector.shape_cast %swap3A_469 : vector<1x16xf32> to vector<16xf32>
        %swap3A_471 = vector.shape_cast %mul3A_466 : vector<16xf32> to vector<1x16xf32>
        tpu.vector_store %arg17[%swap3A_467, %swap3A_468], %swap3A_471 {strides = array<i32>} : memref<50x144xf32, #tpu.memory_space<vmem>>, vector<1x16xf32>,
      }
      %scan3A_115 = arith.constant 50 : i32
      %dma_start3A_116 = arith.constant 1 : i32
      %dma_start3A_117 = arith.constant 0 : i32
      %dma_start3A_118 = tpu.memref_slice %arg7[%dma_start3A_116, %dma_start3A_117] : memref<2x50xi32, #tpu.memory_space<vmem>> -> memref<1x50xi32, #tpu.memory_space<vmem>>
      %dma_start3A_119 = tpu.memref_squeeze %dma_start3A_118 : memref<1x50xi32, #tpu.memory_space<vmem>> -> memref<50xi32, #tpu.memory_space<vmem>>
      %dma_start3A_120 = arith.constant 0 : i32
      %dma_start3A_121 = arith.constant 0 : i32
      %dma_start3A_122 = tpu.memref_slice %arg19[%dma_start3A_120, %dma_start3A_121] : memref<10240x144xf32, #tpu.memory_space<vmem_shared>> -> memref<10240x144xf32, #tpu.memory_space<vmem_shared>>
      tpu.enqueue_indirect_dma source(%arg17 : memref<50x144xf32, #tpu.memory_space<vmem>>) target(%dma_start3A_122 : memref<10240x144xf32, #tpu.memory_space<vmem_shared>>) offsets(%dma_start3A_119 : memref<50xi32, #tpu.memory_space<vmem>>) semaphore(%arg22 : memref<!tpu.dma_semaphore, #tpu.memory_space<semaphore_mem>>) {add = true}
      %mul3A_123 = arith.constant 4 : i32
      %mul3A_124 = arith.muli %mul3A_123, %add3A_57 : i32
      %add3A_125 = arith.constant 1 : i32
      %add3A_126 = arith.addi %mul3A_124, %add3A_125 : i32
      %ge3A_127 = arith.constant 2 : i32
      %ge3A_128 = arith.cmpi sge, %add3A_126, %ge3A_127 : i32
      %convert_element_type3A_129 = arith.extui %ge3A_128 : i1 to i32
      %cond3A_130 = arith.constant 0 : i32
      %cond3A_131 = arith.cmpi ne, %convert_element_type3A_129, %cond3A_130 : i32
      scf.if %cond3A_131 {
        %dma_wait3A_327 = arith.constant 1 : i32
        %dma_wait3A_328 = arith.constant 0 : i32
        %dma_wait3A_329 = tpu.memref_slice %arg10[%dma_wait3A_327, %dma_wait3A_328] : memref<2x50xi32, #tpu.memory_space<vmem>> -> memref<1x50xi32, #tpu.memory_space<vmem>>
        %dma_wait3A_330 = tpu.memref_squeeze %dma_wait3A_329 : memref<1x50xi32, #tpu.memory_space<vmem>> -> memref<50xi32, #tpu.memory_space<vmem>>
        %dma_wait3A_331 = arith.constant 0 : i32
        %dma_wait3A_332 = arith.constant 0 : i32
        %dma_wait3A_333 = tpu.memref_slice %arg19[%dma_wait3A_331, %dma_wait3A_332] : memref<10240x144xf32, #tpu.memory_space<vmem_shared>> -> memref<10240x144xf32, #tpu.memory_space<vmem_shared>>
        tpu.wait_indirect_dma semaphore(%arg23 : memref<!tpu.dma_semaphore, #tpu.memory_space<semaphore_mem>>) src(%arg18 : memref<50x144xf32, #tpu.memory_space<vmem>>) dst(%dma_wait3A_333 : memref<10240x144xf32, #tpu.memory_space<vmem_shared>>)
      } else {
      }
      %add3A_132 = arith.constant 2 : i32
      %add3A_133 = arith.addi %add3A_126, %add3A_132 : i32
      %lt3A_134 = arith.constant 200 : i32
      %lt3A_135 = arith.cmpi slt, %add3A_133, %lt3A_134 : i32
      %convert_element_type3A_136 = arith.extui %lt3A_135 : i1 to i32
      %cond3A_137 = arith.constant 0 : i32
      %cond3A_138 = arith.cmpi ne, %convert_element_type3A_136, %cond3A_137 : i32
      scf.if %cond3A_138 {
        %add3A_327 = arith.constant 2 : i32
        %add3A_328 = arith.addi %add3A_126, %add3A_327 : i32
        %dma_start3A_329 = arith.constant 0 : i32
        %dma_start3A_330 = arith.constant 0 : i32
        %dma_start3A_331 = tpu.memref_slice %arg4[%add3A, %add3A_328, %dma_start3A_329, %dma_start3A_330] : memref<32x200x2x50xi32, #tpu.memory_space<hbm>> -> memref<1x1x2x50xi32, #tpu.memory_space<hbm>>
        %dma_start3A_332 = tpu.memref_squeeze %dma_start3A_331 : memref<1x1x2x50xi32, #tpu.memory_space<hbm>> -> memref<2x50xi32, #tpu.memory_space<hbm>>
        %dma_start3A_333 = arith.constant 0 : i32
        %dma_start3A_334 = arith.constant 0 : i32
        %dma_start3A_335 = tpu.memref_slice %arg4[%add3A, %add3A_328, %dma_start3A_333, %dma_start3A_334] : memref<32x200x2x50xi32, #tpu.memory_space<hbm>> -> memref<1x1x2x50xi32, #tpu.memory_space<hbm>>
        %dma_start3A_336 = tpu.memref_squeeze %dma_start3A_335 : memref<1x1x2x50xi32, #tpu.memory_space<hbm>> -> memref<2x50xi32, #tpu.memory_space<hbm>>
        tpu.enqueue_dma source(%dma_start3A_336 : memref<2x50xi32, #tpu.memory_space<hbm>>) target(%arg10 : memref<2x50xi32, #tpu.memory_space<vmem>>) target_semaphore(%arg24 : memref<!tpu.dma_semaphore, #tpu.memory_space<semaphore_mem>>)
      } else {
      }
      %add3A_139 = arith.constant 1 : i32
      %add3A_140 = arith.addi %add3A_126, %add3A_139 : i32
      %ge3A_141 = arith.constant 2 : i32
      %ge3A_142 = arith.cmpi sge, %add3A_140, %ge3A_141 : i32
      %add3A_143 = arith.constant 1 : i32
      %add3A_144 = arith.addi %add3A_126, %add3A_143 : i32
      %lt3A_145 = arith.constant 200 : i32
      %lt3A_146 = arith.cmpi slt, %add3A_144, %lt3A_145 : i32
      %and3A_147 = arith.andi %ge3A_142, %lt3A_146 : i1
      %convert_element_type3A_148 = arith.extui %and3A_147 : i1 to i32
      %cond3A_149 = arith.constant 0 : i32
      %cond3A_150 = arith.cmpi ne, %convert_element_type3A_148, %cond3A_149 : i32
      scf.if %cond3A_150 {
        %add3A_327 = arith.constant 1 : i32
        %add3A_328 = arith.addi %add3A_126, %add3A_327 : i32
        %dma_wait3A_329 = arith.constant 0 : i32
        %dma_wait3A_330 = arith.constant 0 : i32
        %dma_wait3A_331 = tpu.memref_slice %arg4[%add3A, %add3A_328, %dma_wait3A_329, %dma_wait3A_330] : memref<32x200x2x50xi32, #tpu.memory_space<hbm>> -> memref<1x1x2x50xi32, #tpu.memory_space<hbm>>
        %dma_wait3A_332 = tpu.memref_squeeze %dma_wait3A_331 : memref<1x1x2x50xi32, #tpu.memory_space<hbm>> -> memref<2x50xi32, #tpu.memory_space<hbm>>
        %dma_wait3A_333 = arith.constant 0 : i32
        %dma_wait3A_334 = arith.constant 0 : i32
        %dma_wait3A_335 = tpu.memref_slice %arg4[%add3A, %add3A_328, %dma_wait3A_333, %dma_wait3A_334] : memref<32x200x2x50xi32, #tpu.memory_space<hbm>> -> memref<1x1x2x50xi32, #tpu.memory_space<hbm>>
        %dma_wait3A_336 = tpu.memref_squeeze %dma_wait3A_335 : memref<1x1x2x50xi32, #tpu.memory_space<hbm>> -> memref<2x50xi32, #tpu.memory_space<hbm>>
        tpu.wait_dma2 semaphore(%arg24 : memref<!tpu.dma_semaphore, #tpu.memory_space<semaphore_mem>>) src(%dma_wait3A_336 : memref<2x50xi32, #tpu.memory_space<hbm>>) dst(%arg9 : memref<2x50xi32, #tpu.memory_space<vmem>>)
      } else {
      }
      %add3A_151 = arith.constant 1 : i32
      %add3A_152 = arith.addi %add3A_126, %add3A_151 : i32
      %lt3A_153 = arith.constant 200 : i32
      %lt3A_154 = arith.cmpi slt, %add3A_152, %lt3A_153 : i32
      %convert_element_type3A_155 = arith.extui %lt3A_154 : i1 to i32
      %cond3A_156 = arith.constant 0 : i32
      %cond3A_157 = arith.cmpi ne, %convert_element_type3A_155, %cond3A_156 : i32
      scf.if %cond3A_157 {
        %dma_start3A_327 = arith.constant 0 : i32
        %dma_start3A_328 = arith.constant 0 : i32
        %dma_start3A_329 = tpu.memref_slice %arg9[%dma_start3A_327, %dma_start3A_328] : memref<2x50xi32, #tpu.memory_space<vmem>> -> memref<1x50xi32, #tpu.memory_space<vmem>>
        %dma_start3A_330 = tpu.memref_squeeze %dma_start3A_329 : memref<1x50xi32, #tpu.memory_space<vmem>> -> memref<50xi32, #tpu.memory_space<vmem>>
        %dma_start3A_331 = arith.constant 0 : i32
        %dma_start3A_332 = arith.constant 0 : i32
        %dma_start3A_333 = tpu.memref_slice %arg3[%dma_start3A_331, %dma_start3A_332] : memref<10000x16xf32, #tpu.memory_space<hbm>> -> memref<10000x16xf32, #tpu.memory_space<hbm>>
        tpu.enqueue_indirect_dma source(%dma_start3A_333 : memref<10000x16xf32, #tpu.memory_space<hbm>>) target(%arg11 : memref<50x16xf32, #tpu.memory_space<vmem>>) offsets(%dma_start3A_330 : memref<50xi32, #tpu.memory_space<vmem>>) semaphore(%arg20 : memref<!tpu.dma_semaphore, #tpu.memory_space<semaphore_mem>>)
        %dma_start3A_334 = arith.constant 1 : i32
        %dma_start3A_335 = arith.constant 0 : i32
        %dma_start3A_336 = tpu.memref_slice %arg9[%dma_start3A_334, %dma_start3A_335] : memref<2x50xi32, #tpu.memory_space<vmem>> -> memref<1x50xi32, #tpu.memory_space<vmem>>
        %dma_start3A_337 = tpu.memref_squeeze %dma_start3A_336 : memref<1x50xi32, #tpu.memory_space<vmem>> -> memref<50xi32, #tpu.memory_space<vmem>>
        %dma_start3A_338 = arith.constant 0 : i32
        %dma_start3A_339 = arith.constant 0 : i32
        %dma_start3A_340 = tpu.memref_slice %arg3[%dma_start3A_338, %dma_start3A_339] : memref<10000x16xf32, #tpu.memory_space<hbm>> -> memref<10000x16xf32, #tpu.memory_space<hbm>>
        tpu.enqueue_indirect_dma source(%dma_start3A_340 : memref<10000x16xf32, #tpu.memory_space<hbm>>) target(%arg13 : memref<50x16xf32, #tpu.memory_space<vmem>>) offsets(%dma_start3A_337 : memref<50xi32, #tpu.memory_space<vmem>>) semaphore(%arg20 : memref<!tpu.dma_semaphore, #tpu.memory_space<semaphore_mem>>)
        %dma_start3A_341 = arith.constant 0 : i32
        %dma_start3A_342 = arith.constant 0 : i32
        %dma_start3A_343 = tpu.memref_slice %arg9[%dma_start3A_341, %dma_start3A_342] : memref<2x50xi32, #tpu.memory_space<vmem>> -> memref<1x50xi32, #tpu.memory_space<vmem>>
        %dma_start3A_344 = tpu.memref_squeeze %dma_start3A_343 : memref<1x50xi32, #tpu.memory_space<vmem>> -> memref<50xi32, #tpu.memory_space<vmem>>
        %dma_start3A_345 = arith.constant 0 : i32
        %dma_start3A_346 = arith.constant 0 : i32
        %dma_start3A_347 = tpu.memref_slice %arg2[%dma_start3A_345, %dma_start3A_346] : memref<10000x128xf32, #tpu.memory_space<hbm>> -> memref<10000x128xf32, #tpu.memory_space<hbm>>
        tpu.enqueue_indirect_dma source(%dma_start3A_347 : memref<10000x128xf32, #tpu.memory_space<hbm>>) target(%arg15 : memref<50x128xf32, #tpu.memory_space<vmem>>) offsets(%dma_start3A_344 : memref<50xi32, #tpu.memory_space<vmem>>) semaphore(%arg20 : memref<!tpu.dma_semaphore, #tpu.memory_space<semaphore_mem>>)
      } else {
      }
      %dma_wait3A_158 = arith.constant 0 : i32
      %dma_wait3A_159 = arith.constant 0 : i32
      %dma_wait3A_160 = tpu.memref_slice %arg8[%dma_wait3A_158, %dma_wait3A_159] : memref<2x50xi32, #tpu.memory_space<vmem>> -> memref<1x50xi32, #tpu.memory_space<vmem>>
      %dma_wait3A_161 = tpu.memref_squeeze %dma_wait3A_160 : memref<1x50xi32, #tpu.memory_space<vmem>> -> memref<50xi32, #tpu.memory_space<vmem>>
      %dma_wait3A_162 = arith.constant 0 : i32
      %dma_wait3A_163 = arith.constant 0 : i32
      %dma_wait3A_164 = tpu.memref_slice %arg3[%dma_wait3A_162, %dma_wait3A_163] : memref<10000x16xf32, #tpu.memory_space<hbm>> -> memref<10000x16xf32, #tpu.memory_space<hbm>>
      tpu.wait_indirect_dma semaphore(%arg21 : memref<!tpu.dma_semaphore, #tpu.memory_space<semaphore_mem>>) src(%dma_wait3A_164 : memref<10000x16xf32, #tpu.memory_space<hbm>>) dst(%arg12 : memref<50x16xf32, #tpu.memory_space<vmem>>)
      %dma_wait3A_165 = arith.constant 1 : i32
      %dma_wait3A_166 = arith.constant 0 : i32
      %dma_wait3A_167 = tpu.memref_slice %arg8[%dma_wait3A_165, %dma_wait3A_166] : memref<2x50xi32, #tpu.memory_space<vmem>> -> memref<1x50xi32, #tpu.memory_space<vmem>>
      %dma_wait3A_168 = tpu.memref_squeeze %dma_wait3A_167 : memref<1x50xi32, #tpu.memory_space<vmem>> -> memref<50xi32, #tpu.memory_space<vmem>>
      %dma_wait3A_169 = arith.constant 0 : i32
      %dma_wait3A_170 = arith.constant 0 : i32
      %dma_wait3A_171 = tpu.memref_slice %arg3[%dma_wait3A_169, %dma_wait3A_170] : memref<10000x16xf32, #tpu.memory_space<hbm>> -> memref<10000x16xf32, #tpu.memory_space<hbm>>
      tpu.wait_indirect_dma semaphore(%arg21 : memref<!tpu.dma_semaphore, #tpu.memory_space<semaphore_mem>>) src(%dma_wait3A_171 : memref<10000x16xf32, #tpu.memory_space<hbm>>) dst(%arg14 : memref<50x16xf32, #tpu.memory_space<vmem>>)
      %dma_wait3A_172 = arith.constant 0 : i32
      %dma_wait3A_173 = arith.constant 0 : i32
      %dma_wait3A_174 = tpu.memref_slice %arg8[%dma_wait3A_172, %dma_wait3A_173] : memref<2x50xi32, #tpu.memory_space<vmem>> -> memref<1x50xi32, #tpu.memory_space<vmem>>
      %dma_wait3A_175 = tpu.memref_squeeze %dma_wait3A_174 : memref<1x50xi32, #tpu.memory_space<vmem>> -> memref<50xi32, #tpu.memory_space<vmem>>
      %dma_wait3A_176 = arith.constant 0 : i32
      %dma_wait3A_177 = arith.constant 0 : i32
      %dma_wait3A_178 = tpu.memref_slice %arg2[%dma_wait3A_176, %dma_wait3A_177] : memref<10000x128xf32, #tpu.memory_space<hbm>> -> memref<10000x128xf32, #tpu.memory_space<hbm>>
      tpu.wait_indirect_dma semaphore(%arg21 : memref<!tpu.dma_semaphore, #tpu.memory_space<semaphore_mem>>) src(%dma_wait3A_178 : memref<10000x128xf32, #tpu.memory_space<hbm>>) dst(%arg16 : memref<50x128xf32, #tpu.memory_space<vmem>>)
      %scan3A_179 = arith.constant 0 : i32
      %scan3A_180 = arith.constant 50 : i32
      %scan3A_181 = arith.addi %scan3A_179, %scan3A_180 : i32
      %scan3A_182 = arith.constant 1 : i32
      scf.for %scan3A_327 = %scan3A_179 to %scan3A_181 step %scan3A_182  : i32 {
        %mul3A_328 = arith.constant 1 : i32
        %mul3A_329 = arith.muli %scan3A_327, %mul3A_328 : i32
        %add3A_330 = arith.constant 0 : i32
        %add3A_331 = arith.addi %add3A_330, %mul3A_329 : i32
        %get3A = arith.index_cast %add3A_331 : i32 to index
        %get3A_332 = arith.constant 0 : index
        %get3A_333 = tpu.vector_load %arg12[%get3A, %get3A_332] {strides = array<i32>} : memref<50x16xf32, #tpu.memory_space<vmem>>, vector<1x16xf32>,
        %get3A_334 = vector.shape_cast %get3A_333 : vector<1x16xf32> to vector<16xf32>
        %get3A_335 = arith.index_cast %add3A_331 : i32 to index
        %get3A_336 = arith.constant 0 : index
        %get3A_337 = tpu.vector_load %arg14[%get3A_335, %get3A_336] {strides = array<i32>} : memref<50x16xf32, #tpu.memory_space<vmem>>, vector<1x16xf32>,
        %get3A_338 = vector.shape_cast %get3A_337 : vector<1x16xf32> to vector<16xf32>
        %broadcast_in_dim3A = vector.shape_cast %and3A_8 : vector<16xi32> to vector<16x1xi32>
        %gather3A = vector.shape_cast %broadcast_in_dim3A : vector<16x1xi32> to vector<16xi32>
        %gather3A_339 = tpu.dynamic_gather %get3A_338[%gather3A] in [0] : vector<16xf32>, vector<16xi32> -> vector<16xf32>
        %add3A_340 = arith.addf %get3A_334, %gather3A_339 : vector<16xf32>
        %gt3A = arith.constant 0.000000e+00 : f32
        %gt3A_341 = vector.broadcast %gt3A : f32 to vector<16xf32>
        %gt3A_342 = arith.cmpf ogt, %add3A_340, %gt3A_341 : vector<16xf32>
        %mul3A_343 = arith.constant 2.000000e-01 : f32
        %mul3A_344 = vector.broadcast %mul3A_343 : f32 to vector<16xf32>
        %mul3A_345 = arith.mulf %add3A_340, %mul3A_344 : vector<16xf32>
        %select_n3A = arith.select %gt3A_342, %add3A_340, %mul3A_345 : vector<16xi1>, vector<16xf32>
        %exp3A = math.exp %select_n3A : vector<16xf32>
        %jit3A = arith.constant 0.000000e+00 : f32
        %broadcast_in_dim3A_346 = vector.broadcast %jit3A : f32 to vector<16xf32>
        %select_n3A_347 = arith.select %lt3A_10, %exp3A, %broadcast_in_dim3A_346 : vector<16xi1>, vector<16xf32>
        %swap3A = arith.index_cast %add3A_331 : i32 to index
        %swap3A_348 = arith.constant 128 : index
        %swap3A_349 = tpu.vector_load %arg18[%swap3A, %swap3A_348] {strides = array<i32>} : memref<50x144xf32, #tpu.memory_space<vmem>>, vector<1x16xf32>,
        %swap3A_350 = vector.shape_cast %swap3A_349 : vector<1x16xf32> to vector<16xf32>
        %swap3A_351 = vector.shape_cast %select_n3A_347 : vector<16xf32> to vector<1x16xf32>
        tpu.vector_store %arg18[%swap3A, %swap3A_348], %swap3A_351 {strides = array<i32>} : memref<50x144xf32, #tpu.memory_space<vmem>>, vector<1x16xf32>,
        %broadcast_in_dim3A_352 = arith.constant 0 : i32
        %broadcast_in_dim3A_353 = vector.broadcast %broadcast_in_dim3A_352 : i32 to vector<16xi32>
        %broadcast_in_dim3A_354 = vector.shape_cast %broadcast_in_dim3A_353 : vector<16xi32> to vector<16x1xi32>
        %gather3A_355 = vector.shape_cast %broadcast_in_dim3A_354 : vector<16x1xi32> to vector<16xi32>
        %gather3A_356 = tpu.dynamic_gather %select_n3A_347[%gather3A_355] in [0] : vector<16xf32>, vector<16xi32> -> vector<16xf32>
        %get3A_357 = arith.index_cast %add3A_331 : i32 to index
        %get3A_358 = arith.constant 0 : index
        %get3A_359 = tpu.vector_load %arg16[%get3A_357, %get3A_358] {strides = array<i32>} : memref<50x128xf32, #tpu.memory_space<vmem>>, vector<1x16xf32>,
        %get3A_360 = vector.shape_cast %get3A_359 : vector<1x16xf32> to vector<16xf32>
        %mul3A_361 = arith.mulf %get3A_360, %gather3A_356 : vector<16xf32>
        %swap3A_362 = arith.index_cast %add3A_331 : i32 to index
        %swap3A_363 = arith.constant 0 : index
        %swap3A_364 = tpu.vector_load %arg18[%swap3A_362, %swap3A_363] {strides = array<i32>} : memref<50x144xf32, #tpu.memory_space<vmem>>, vector<1x16xf32>,
        %swap3A_365 = vector.shape_cast %swap3A_364 : vector<1x16xf32> to vector<16xf32>
        %swap3A_366 = vector.shape_cast %mul3A_361 : vector<16xf32> to vector<1x16xf32>
        tpu.vector_store %arg18[%swap3A_362, %swap3A_363], %swap3A_366 {strides = array<i32>} : memref<50x144xf32, #tpu.memory_space<vmem>>, vector<1x16xf32>,
        %broadcast_in_dim3A_367 = arith.constant 1 : i32
        %broadcast_in_dim3A_368 = vector.broadcast %broadcast_in_dim3A_367 : i32 to vector<16xi32>
        %broadcast_in_dim3A_369 = vector.shape_cast %broadcast_in_dim3A_368 : vector<16xi32> to vector<16x1xi32>
        %gather3A_370 = vector.shape_cast %broadcast_in_dim3A_369 : vector<16x1xi32> to vector<16xi32>
        %gather3A_371 = tpu.dynamic_gather %select_n3A_347[%gather3A_370] in [0] : vector<16xf32>, vector<16xi32> -> vector<16xf32>
        %get3A_372 = arith.index_cast %add3A_331 : i32 to index
        %get3A_373 = arith.constant 16 : index
        %get3A_374 = tpu.vector_load %arg16[%get3A_372, %get3A_373] {strides = array<i32>} : memref<50x128xf32, #tpu.memory_space<vmem>>, vector<1x16xf32>,
        %get3A_375 = vector.shape_cast %get3A_374 : vector<1x16xf32> to vector<16xf32>
        %mul3A_376 = arith.mulf %get3A_375, %gather3A_371 : vector<16xf32>
        %swap3A_377 = arith.index_cast %add3A_331 : i32 to index
        %swap3A_378 = arith.constant 16 : index
        %swap3A_379 = tpu.vector_load %arg18[%swap3A_377, %swap3A_378] {strides = array<i32>} : memref<50x144xf32, #tpu.memory_space<vmem>>, vector<1x16xf32>,
        %swap3A_380 = vector.shape_cast %swap3A_379 : vector<1x16xf32> to vector<16xf32>
        %swap3A_381 = vector.shape_cast %mul3A_376 : vector<16xf32> to vector<1x16xf32>
        tpu.vector_store %arg18[%swap3A_377, %swap3A_378], %swap3A_381 {strides = array<i32>} : memref<50x144xf32, #tpu.memory_space<vmem>>, vector<1x16xf32>,
        %broadcast_in_dim3A_382 = arith.constant 2 : i32
        %broadcast_in_dim3A_383 = vector.broadcast %broadcast_in_dim3A_382 : i32 to vector<16xi32>
        %broadcast_in_dim3A_384 = vector.shape_cast %broadcast_in_dim3A_383 : vector<16xi32> to vector<16x1xi32>
        %gather3A_385 = vector.shape_cast %broadcast_in_dim3A_384 : vector<16x1xi32> to vector<16xi32>
        %gather3A_386 = tpu.dynamic_gather %select_n3A_347[%gather3A_385] in [0] : vector<16xf32>, vector<16xi32> -> vector<16xf32>
        %get3A_387 = arith.index_cast %add3A_331 : i32 to index
        %get3A_388 = arith.constant 32 : index
        %get3A_389 = tpu.vector_load %arg16[%get3A_387, %get3A_388] {strides = array<i32>} : memref<50x128xf32, #tpu.memory_space<vmem>>, vector<1x16xf32>,
        %get3A_390 = vector.shape_cast %get3A_389 : vector<1x16xf32> to vector<16xf32>
        %mul3A_391 = arith.mulf %get3A_390, %gather3A_386 : vector<16xf32>
        %swap3A_392 = arith.index_cast %add3A_331 : i32 to index
        %swap3A_393 = arith.constant 32 : index
        %swap3A_394 = tpu.vector_load %arg18[%swap3A_392, %swap3A_393] {strides = array<i32>} : memref<50x144xf32, #tpu.memory_space<vmem>>, vector<1x16xf32>,
        %swap3A_395 = vector.shape_cast %swap3A_394 : vector<1x16xf32> to vector<16xf32>
        %swap3A_396 = vector.shape_cast %mul3A_391 : vector<16xf32> to vector<1x16xf32>
        tpu.vector_store %arg18[%swap3A_392, %swap3A_393], %swap3A_396 {strides = array<i32>} : memref<50x144xf32, #tpu.memory_space<vmem>>, vector<1x16xf32>,
        %broadcast_in_dim3A_397 = arith.constant 3 : i32
        %broadcast_in_dim3A_398 = vector.broadcast %broadcast_in_dim3A_397 : i32 to vector<16xi32>
        %broadcast_in_dim3A_399 = vector.shape_cast %broadcast_in_dim3A_398 : vector<16xi32> to vector<16x1xi32>
        %gather3A_400 = vector.shape_cast %broadcast_in_dim3A_399 : vector<16x1xi32> to vector<16xi32>
        %gather3A_401 = tpu.dynamic_gather %select_n3A_347[%gather3A_400] in [0] : vector<16xf32>, vector<16xi32> -> vector<16xf32>
        %get3A_402 = arith.index_cast %add3A_331 : i32 to index
        %get3A_403 = arith.constant 48 : index
        %get3A_404 = tpu.vector_load %arg16[%get3A_402, %get3A_403] {strides = array<i32>} : memref<50x128xf32, #tpu.memory_space<vmem>>, vector<1x16xf32>,
        %get3A_405 = vector.shape_cast %get3A_404 : vector<1x16xf32> to vector<16xf32>
        %mul3A_406 = arith.mulf %get3A_405, %gather3A_401 : vector<16xf32>
        %swap3A_407 = arith.index_cast %add3A_331 : i32 to index
        %swap3A_408 = arith.constant 48 : index
        %swap3A_409 = tpu.vector_load %arg18[%swap3A_407, %swap3A_408] {strides = array<i32>} : memref<50x144xf32, #tpu.memory_space<vmem>>, vector<1x16xf32>,
        %swap3A_410 = vector.shape_cast %swap3A_409 : vector<1x16xf32> to vector<16xf32>
        %swap3A_411 = vector.shape_cast %mul3A_406 : vector<16xf32> to vector<1x16xf32>
        tpu.vector_store %arg18[%swap3A_407, %swap3A_408], %swap3A_411 {strides = array<i32>} : memref<50x144xf32, #tpu.memory_space<vmem>>, vector<1x16xf32>,
        %broadcast_in_dim3A_412 = arith.constant 4 : i32
        %broadcast_in_dim3A_413 = vector.broadcast %broadcast_in_dim3A_412 : i32 to vector<16xi32>
        %broadcast_in_dim3A_414 = vector.shape_cast %broadcast_in_dim3A_413 : vector<16xi32> to vector<16x1xi32>
        %gather3A_415 = vector.shape_cast %broadcast_in_dim3A_414 : vector<16x1xi32> to vector<16xi32>
        %gather3A_416 = tpu.dynamic_gather %select_n3A_347[%gather3A_415] in [0] : vector<16xf32>, vector<16xi32> -> vector<16xf32>
        %get3A_417 = arith.index_cast %add3A_331 : i32 to index
        %get3A_418 = arith.constant 64 : index
        %get3A_419 = tpu.vector_load %arg16[%get3A_417, %get3A_418] {strides = array<i32>} : memref<50x128xf32, #tpu.memory_space<vmem>>, vector<1x16xf32>,
        %get3A_420 = vector.shape_cast %get3A_419 : vector<1x16xf32> to vector<16xf32>
        %mul3A_421 = arith.mulf %get3A_420, %gather3A_416 : vector<16xf32>
        %swap3A_422 = arith.index_cast %add3A_331 : i32 to index
        %swap3A_423 = arith.constant 64 : index
        %swap3A_424 = tpu.vector_load %arg18[%swap3A_422, %swap3A_423] {strides = array<i32>} : memref<50x144xf32, #tpu.memory_space<vmem>>, vector<1x16xf32>,
        %swap3A_425 = vector.shape_cast %swap3A_424 : vector<1x16xf32> to vector<16xf32>
        %swap3A_426 = vector.shape_cast %mul3A_421 : vector<16xf32> to vector<1x16xf32>
        tpu.vector_store %arg18[%swap3A_422, %swap3A_423], %swap3A_426 {strides = array<i32>} : memref<50x144xf32, #tpu.memory_space<vmem>>, vector<1x16xf32>,
        %broadcast_in_dim3A_427 = arith.constant 5 : i32
        %broadcast_in_dim3A_428 = vector.broadcast %broadcast_in_dim3A_427 : i32 to vector<16xi32>
        %broadcast_in_dim3A_429 = vector.shape_cast %broadcast_in_dim3A_428 : vector<16xi32> to vector<16x1xi32>
        %gather3A_430 = vector.shape_cast %broadcast_in_dim3A_429 : vector<16x1xi32> to vector<16xi32>
        %gather3A_431 = tpu.dynamic_gather %select_n3A_347[%gather3A_430] in [0] : vector<16xf32>, vector<16xi32> -> vector<16xf32>
        %get3A_432 = arith.index_cast %add3A_331 : i32 to index
        %get3A_433 = arith.constant 80 : index
        %get3A_434 = tpu.vector_load %arg16[%get3A_432, %get3A_433] {strides = array<i32>} : memref<50x128xf32, #tpu.memory_space<vmem>>, vector<1x16xf32>,
        %get3A_435 = vector.shape_cast %get3A_434 : vector<1x16xf32> to vector<16xf32>
        %mul3A_436 = arith.mulf %get3A_435, %gather3A_431 : vector<16xf32>
        %swap3A_437 = arith.index_cast %add3A_331 : i32 to index
        %swap3A_438 = arith.constant 80 : index
        %swap3A_439 = tpu.vector_load %arg18[%swap3A_437, %swap3A_438] {strides = array<i32>} : memref<50x144xf32, #tpu.memory_space<vmem>>, vector<1x16xf32>,
        %swap3A_440 = vector.shape_cast %swap3A_439 : vector<1x16xf32> to vector<16xf32>
        %swap3A_441 = vector.shape_cast %mul3A_436 : vector<16xf32> to vector<1x16xf32>
        tpu.vector_store %arg18[%swap3A_437, %swap3A_438], %swap3A_441 {strides = array<i32>} : memref<50x144xf32, #tpu.memory_space<vmem>>, vector<1x16xf32>,
        %broadcast_in_dim3A_442 = arith.constant 6 : i32
        %broadcast_in_dim3A_443 = vector.broadcast %broadcast_in_dim3A_442 : i32 to vector<16xi32>
        %broadcast_in_dim3A_444 = vector.shape_cast %broadcast_in_dim3A_443 : vector<16xi32> to vector<16x1xi32>
        %gather3A_445 = vector.shape_cast %broadcast_in_dim3A_444 : vector<16x1xi32> to vector<16xi32>
        %gather3A_446 = tpu.dynamic_gather %select_n3A_347[%gather3A_445] in [0] : vector<16xf32>, vector<16xi32> -> vector<16xf32>
        %get3A_447 = arith.index_cast %add3A_331 : i32 to index
        %get3A_448 = arith.constant 96 : index
        %get3A_449 = tpu.vector_load %arg16[%get3A_447, %get3A_448] {strides = array<i32>} : memref<50x128xf32, #tpu.memory_space<vmem>>, vector<1x16xf32>,
        %get3A_450 = vector.shape_cast %get3A_449 : vector<1x16xf32> to vector<16xf32>
        %mul3A_451 = arith.mulf %get3A_450, %gather3A_446 : vector<16xf32>
        %swap3A_452 = arith.index_cast %add3A_331 : i32 to index
        %swap3A_453 = arith.constant 96 : index
        %swap3A_454 = tpu.vector_load %arg18[%swap3A_452, %swap3A_453] {strides = array<i32>} : memref<50x144xf32, #tpu.memory_space<vmem>>, vector<1x16xf32>,
        %swap3A_455 = vector.shape_cast %swap3A_454 : vector<1x16xf32> to vector<16xf32>
        %swap3A_456 = vector.shape_cast %mul3A_451 : vector<16xf32> to vector<1x16xf32>
        tpu.vector_store %arg18[%swap3A_452, %swap3A_453], %swap3A_456 {strides = array<i32>} : memref<50x144xf32, #tpu.memory_space<vmem>>, vector<1x16xf32>,
        %broadcast_in_dim3A_457 = arith.constant 7 : i32
        %broadcast_in_dim3A_458 = vector.broadcast %broadcast_in_dim3A_457 : i32 to vector<16xi32>
        %broadcast_in_dim3A_459 = vector.shape_cast %broadcast_in_dim3A_458 : vector<16xi32> to vector<16x1xi32>
        %gather3A_460 = vector.shape_cast %broadcast_in_dim3A_459 : vector<16x1xi32> to vector<16xi32>
        %gather3A_461 = tpu.dynamic_gather %select_n3A_347[%gather3A_460] in [0] : vector<16xf32>, vector<16xi32> -> vector<16xf32>
        %get3A_462 = arith.index_cast %add3A_331 : i32 to index
        %get3A_463 = arith.constant 112 : index
        %get3A_464 = tpu.vector_load %arg16[%get3A_462, %get3A_463] {strides = array<i32>} : memref<50x128xf32, #tpu.memory_space<vmem>>, vector<1x16xf32>,
        %get3A_465 = vector.shape_cast %get3A_464 : vector<1x16xf32> to vector<16xf32>
        %mul3A_466 = arith.mulf %get3A_465, %gather3A_461 : vector<16xf32>
        %swap3A_467 = arith.index_cast %add3A_331 : i32 to index
        %swap3A_468 = arith.constant 112 : index
        %swap3A_469 = tpu.vector_load %arg18[%swap3A_467, %swap3A_468] {strides = array<i32>} : memref<50x144xf32, #tpu.memory_space<vmem>>, vector<1x16xf32>,
        %swap3A_470 = vector.shape_cast %swap3A_469 : vector<1x16xf32> to vector<16xf32>
        %swap3A_471 = vector.shape_cast %mul3A_466 : vector<16xf32> to vector<1x16xf32>
        tpu.vector_store %arg18[%swap3A_467, %swap3A_468], %swap3A_471 {strides = array<i32>} : memref<50x144xf32, #tpu.memory_space<vmem>>, vector<1x16xf32>,
      }
      %scan3A_183 = arith.constant 50 : i32
      %dma_start3A_184 = arith.constant 1 : i32
      %dma_start3A_185 = arith.constant 0 : i32
      %dma_start3A_186 = tpu.memref_slice %arg8[%dma_start3A_184, %dma_start3A_185] : memref<2x50xi32, #tpu.memory_space<vmem>> -> memref<1x50xi32, #tpu.memory_space<vmem>>
      %dma_start3A_187 = tpu.memref_squeeze %dma_start3A_186 : memref<1x50xi32, #tpu.memory_space<vmem>> -> memref<50xi32, #tpu.memory_space<vmem>>
      %dma_start3A_188 = arith.constant 0 : i32
      %dma_start3A_189 = arith.constant 0 : i32
      %dma_start3A_190 = tpu.memref_slice %arg19[%dma_start3A_188, %dma_start3A_189] : memref<10240x144xf32, #tpu.memory_space<vmem_shared>> -> memref<10240x144xf32, #tpu.memory_space<vmem_shared>>
      tpu.enqueue_indirect_dma source(%arg18 : memref<50x144xf32, #tpu.memory_space<vmem>>) target(%dma_start3A_190 : memref<10240x144xf32, #tpu.memory_space<vmem_shared>>) offsets(%dma_start3A_187 : memref<50xi32, #tpu.memory_space<vmem>>) semaphore(%arg23 : memref<!tpu.dma_semaphore, #tpu.memory_space<semaphore_mem>>) {add = true}
      %mul3A_191 = arith.constant 4 : i32
      %mul3A_192 = arith.muli %mul3A_191, %add3A_57 : i32
      %add3A_193 = arith.constant 2 : i32
      %add3A_194 = arith.addi %mul3A_192, %add3A_193 : i32
      %ge3A_195 = arith.constant 2 : i32
      %ge3A_196 = arith.cmpi sge, %add3A_194, %ge3A_195 : i32
      %convert_element_type3A_197 = arith.extui %ge3A_196 : i1 to i32
      %cond3A_198 = arith.constant 0 : i32
      %cond3A_199 = arith.cmpi ne, %convert_element_type3A_197, %cond3A_198 : i32
      scf.if %cond3A_199 {
        %dma_wait3A_327 = arith.constant 1 : i32
        %dma_wait3A_328 = arith.constant 0 : i32
        %dma_wait3A_329 = tpu.memref_slice %arg7[%dma_wait3A_327, %dma_wait3A_328] : memref<2x50xi32, #tpu.memory_space<vmem>> -> memref<1x50xi32, #tpu.memory_space<vmem>>
        %dma_wait3A_330 = tpu.memref_squeeze %dma_wait3A_329 : memref<1x50xi32, #tpu.memory_space<vmem>> -> memref<50xi32, #tpu.memory_space<vmem>>
        %dma_wait3A_331 = arith.constant 0 : i32
        %dma_wait3A_332 = arith.constant 0 : i32
        %dma_wait3A_333 = tpu.memref_slice %arg19[%dma_wait3A_331, %dma_wait3A_332] : memref<10240x144xf32, #tpu.memory_space<vmem_shared>> -> memref<10240x144xf32, #tpu.memory_space<vmem_shared>>
        tpu.wait_indirect_dma semaphore(%arg22 : memref<!tpu.dma_semaphore, #tpu.memory_space<semaphore_mem>>) src(%arg17 : memref<50x144xf32, #tpu.memory_space<vmem>>) dst(%dma_wait3A_333 : memref<10240x144xf32, #tpu.memory_space<vmem_shared>>)
      } else {
      }
      %add3A_200 = arith.constant 2 : i32
      %add3A_201 = arith.addi %add3A_194, %add3A_200 : i32
      %lt3A_202 = arith.constant 200 : i32
      %lt3A_203 = arith.cmpi slt, %add3A_201, %lt3A_202 : i32
      %convert_element_type3A_204 = arith.extui %lt3A_203 : i1 to i32
      %cond3A_205 = arith.constant 0 : i32
      %cond3A_206 = arith.cmpi ne, %convert_element_type3A_204, %cond3A_205 : i32
      scf.if %cond3A_206 {
        %add3A_327 = arith.constant 2 : i32
        %add3A_328 = arith.addi %add3A_194, %add3A_327 : i32
        %dma_start3A_329 = arith.constant 0 : i32
        %dma_start3A_330 = arith.constant 0 : i32
        %dma_start3A_331 = tpu.memref_slice %arg4[%add3A, %add3A_328, %dma_start3A_329, %dma_start3A_330] : memref<32x200x2x50xi32, #tpu.memory_space<hbm>> -> memref<1x1x2x50xi32, #tpu.memory_space<hbm>>
        %dma_start3A_332 = tpu.memref_squeeze %dma_start3A_331 : memref<1x1x2x50xi32, #tpu.memory_space<hbm>> -> memref<2x50xi32, #tpu.memory_space<hbm>>
        %dma_start3A_333 = arith.constant 0 : i32
        %dma_start3A_334 = arith.constant 0 : i32
        %dma_start3A_335 = tpu.memref_slice %arg4[%add3A, %add3A_328, %dma_start3A_333, %dma_start3A_334] : memref<32x200x2x50xi32, #tpu.memory_space<hbm>> -> memref<1x1x2x50xi32, #tpu.memory_space<hbm>>
        %dma_start3A_336 = tpu.memref_squeeze %dma_start3A_335 : memref<1x1x2x50xi32, #tpu.memory_space<hbm>> -> memref<2x50xi32, #tpu.memory_space<hbm>>
        tpu.enqueue_dma source(%dma_start3A_336 : memref<2x50xi32, #tpu.memory_space<hbm>>) target(%arg7 : memref<2x50xi32, #tpu.memory_space<vmem>>) target_semaphore(%arg24 : memref<!tpu.dma_semaphore, #tpu.memory_space<semaphore_mem>>)
      } else {
      }
      %add3A_207 = arith.constant 1 : i32
      %add3A_208 = arith.addi %add3A_194, %add3A_207 : i32
      %ge3A_209 = arith.constant 2 : i32
      %ge3A_210 = arith.cmpi sge, %add3A_208, %ge3A_209 : i32
      %add3A_211 = arith.constant 1 : i32
      %add3A_212 = arith.addi %add3A_194, %add3A_211 : i32
      %lt3A_213 = arith.constant 200 : i32
      %lt3A_214 = arith.cmpi slt, %add3A_212, %lt3A_213 : i32
      %and3A_215 = arith.andi %ge3A_210, %lt3A_214 : i1
      %convert_element_type3A_216 = arith.extui %and3A_215 : i1 to i32
      %cond3A_217 = arith.constant 0 : i32
      %cond3A_218 = arith.cmpi ne, %convert_element_type3A_216, %cond3A_217 : i32
      scf.if %cond3A_218 {
        %add3A_327 = arith.constant 1 : i32
        %add3A_328 = arith.addi %add3A_194, %add3A_327 : i32
        %dma_wait3A_329 = arith.constant 0 : i32
        %dma_wait3A_330 = arith.constant 0 : i32
        %dma_wait3A_331 = tpu.memref_slice %arg4[%add3A, %add3A_328, %dma_wait3A_329, %dma_wait3A_330] : memref<32x200x2x50xi32, #tpu.memory_space<hbm>> -> memref<1x1x2x50xi32, #tpu.memory_space<hbm>>
        %dma_wait3A_332 = tpu.memref_squeeze %dma_wait3A_331 : memref<1x1x2x50xi32, #tpu.memory_space<hbm>> -> memref<2x50xi32, #tpu.memory_space<hbm>>
        %dma_wait3A_333 = arith.constant 0 : i32
        %dma_wait3A_334 = arith.constant 0 : i32
        %dma_wait3A_335 = tpu.memref_slice %arg4[%add3A, %add3A_328, %dma_wait3A_333, %dma_wait3A_334] : memref<32x200x2x50xi32, #tpu.memory_space<hbm>> -> memref<1x1x2x50xi32, #tpu.memory_space<hbm>>
        %dma_wait3A_336 = tpu.memref_squeeze %dma_wait3A_335 : memref<1x1x2x50xi32, #tpu.memory_space<hbm>> -> memref<2x50xi32, #tpu.memory_space<hbm>>
        tpu.wait_dma2 semaphore(%arg24 : memref<!tpu.dma_semaphore, #tpu.memory_space<semaphore_mem>>) src(%dma_wait3A_336 : memref<2x50xi32, #tpu.memory_space<hbm>>) dst(%arg10 : memref<2x50xi32, #tpu.memory_space<vmem>>)
      } else {
      }
      %add3A_219 = arith.constant 1 : i32
      %add3A_220 = arith.addi %add3A_194, %add3A_219 : i32
      %lt3A_221 = arith.constant 200 : i32
      %lt3A_222 = arith.cmpi slt, %add3A_220, %lt3A_221 : i32
      %convert_element_type3A_223 = arith.extui %lt3A_222 : i1 to i32
      %cond3A_224 = arith.constant 0 : i32
      %cond3A_225 = arith.cmpi ne, %convert_element_type3A_223, %cond3A_224 : i32
      scf.if %cond3A_225 {
        %dma_start3A_327 = arith.constant 0 : i32
        %dma_start3A_328 = arith.constant 0 : i32
        %dma_start3A_329 = tpu.memref_slice %arg10[%dma_start3A_327, %dma_start3A_328] : memref<2x50xi32, #tpu.memory_space<vmem>> -> memref<1x50xi32, #tpu.memory_space<vmem>>
        %dma_start3A_330 = tpu.memref_squeeze %dma_start3A_329 : memref<1x50xi32, #tpu.memory_space<vmem>> -> memref<50xi32, #tpu.memory_space<vmem>>
        %dma_start3A_331 = arith.constant 0 : i32
        %dma_start3A_332 = arith.constant 0 : i32
        %dma_start3A_333 = tpu.memref_slice %arg3[%dma_start3A_331, %dma_start3A_332] : memref<10000x16xf32, #tpu.memory_space<hbm>> -> memref<10000x16xf32, #tpu.memory_space<hbm>>
        tpu.enqueue_indirect_dma source(%dma_start3A_333 : memref<10000x16xf32, #tpu.memory_space<hbm>>) target(%arg12 : memref<50x16xf32, #tpu.memory_space<vmem>>) offsets(%dma_start3A_330 : memref<50xi32, #tpu.memory_space<vmem>>) semaphore(%arg21 : memref<!tpu.dma_semaphore, #tpu.memory_space<semaphore_mem>>)
        %dma_start3A_334 = arith.constant 1 : i32
        %dma_start3A_335 = arith.constant 0 : i32
        %dma_start3A_336 = tpu.memref_slice %arg10[%dma_start3A_334, %dma_start3A_335] : memref<2x50xi32, #tpu.memory_space<vmem>> -> memref<1x50xi32, #tpu.memory_space<vmem>>
        %dma_start3A_337 = tpu.memref_squeeze %dma_start3A_336 : memref<1x50xi32, #tpu.memory_space<vmem>> -> memref<50xi32, #tpu.memory_space<vmem>>
        %dma_start3A_338 = arith.constant 0 : i32
        %dma_start3A_339 = arith.constant 0 : i32
        %dma_start3A_340 = tpu.memref_slice %arg3[%dma_start3A_338, %dma_start3A_339] : memref<10000x16xf32, #tpu.memory_space<hbm>> -> memref<10000x16xf32, #tpu.memory_space<hbm>>
        tpu.enqueue_indirect_dma source(%dma_start3A_340 : memref<10000x16xf32, #tpu.memory_space<hbm>>) target(%arg14 : memref<50x16xf32, #tpu.memory_space<vmem>>) offsets(%dma_start3A_337 : memref<50xi32, #tpu.memory_space<vmem>>) semaphore(%arg21 : memref<!tpu.dma_semaphore, #tpu.memory_space<semaphore_mem>>)
        %dma_start3A_341 = arith.constant 0 : i32
        %dma_start3A_342 = arith.constant 0 : i32
        %dma_start3A_343 = tpu.memref_slice %arg10[%dma_start3A_341, %dma_start3A_342] : memref<2x50xi32, #tpu.memory_space<vmem>> -> memref<1x50xi32, #tpu.memory_space<vmem>>
        %dma_start3A_344 = tpu.memref_squeeze %dma_start3A_343 : memref<1x50xi32, #tpu.memory_space<vmem>> -> memref<50xi32, #tpu.memory_space<vmem>>
        %dma_start3A_345 = arith.constant 0 : i32
        %dma_start3A_346 = arith.constant 0 : i32
        %dma_start3A_347 = tpu.memref_slice %arg2[%dma_start3A_345, %dma_start3A_346] : memref<10000x128xf32, #tpu.memory_space<hbm>> -> memref<10000x128xf32, #tpu.memory_space<hbm>>
        tpu.enqueue_indirect_dma source(%dma_start3A_347 : memref<10000x128xf32, #tpu.memory_space<hbm>>) target(%arg16 : memref<50x128xf32, #tpu.memory_space<vmem>>) offsets(%dma_start3A_344 : memref<50xi32, #tpu.memory_space<vmem>>) semaphore(%arg21 : memref<!tpu.dma_semaphore, #tpu.memory_space<semaphore_mem>>)
      } else {
      }
      %dma_wait3A_226 = arith.constant 0 : i32
      %dma_wait3A_227 = arith.constant 0 : i32
      %dma_wait3A_228 = tpu.memref_slice %arg9[%dma_wait3A_226, %dma_wait3A_227] : memref<2x50xi32, #tpu.memory_space<vmem>> -> memref<1x50xi32, #tpu.memory_space<vmem>>
      %dma_wait3A_229 = tpu.memref_squeeze %dma_wait3A_228 : memref<1x50xi32, #tpu.memory_space<vmem>> -> memref<50xi32, #tpu.memory_space<vmem>>
      %dma_wait3A_230 = arith.constant 0 : i32
      %dma_wait3A_231 = arith.constant 0 : i32
      %dma_wait3A_232 = tpu.memref_slice %arg3[%dma_wait3A_230, %dma_wait3A_231] : memref<10000x16xf32, #tpu.memory_space<hbm>> -> memref<10000x16xf32, #tpu.memory_space<hbm>>
      tpu.wait_indirect_dma semaphore(%arg20 : memref<!tpu.dma_semaphore, #tpu.memory_space<semaphore_mem>>) src(%dma_wait3A_232 : memref<10000x16xf32, #tpu.memory_space<hbm>>) dst(%arg11 : memref<50x16xf32, #tpu.memory_space<vmem>>)
      %dma_wait3A_233 = arith.constant 1 : i32
      %dma_wait3A_234 = arith.constant 0 : i32
      %dma_wait3A_235 = tpu.memref_slice %arg9[%dma_wait3A_233, %dma_wait3A_234] : memref<2x50xi32, #tpu.memory_space<vmem>> -> memref<1x50xi32, #tpu.memory_space<vmem>>
      %dma_wait3A_236 = tpu.memref_squeeze %dma_wait3A_235 : memref<1x50xi32, #tpu.memory_space<vmem>> -> memref<50xi32, #tpu.memory_space<vmem>>
      %dma_wait3A_237 = arith.constant 0 : i32
      %dma_wait3A_238 = arith.constant 0 : i32
      %dma_wait3A_239 = tpu.memref_slice %arg3[%dma_wait3A_237, %dma_wait3A_238] : memref<10000x16xf32, #tpu.memory_space<hbm>> -> memref<10000x16xf32, #tpu.memory_space<hbm>>
      tpu.wait_indirect_dma semaphore(%arg20 : memref<!tpu.dma_semaphore, #tpu.memory_space<semaphore_mem>>) src(%dma_wait3A_239 : memref<10000x16xf32, #tpu.memory_space<hbm>>) dst(%arg13 : memref<50x16xf32, #tpu.memory_space<vmem>>)
      %dma_wait3A_240 = arith.constant 0 : i32
      %dma_wait3A_241 = arith.constant 0 : i32
      %dma_wait3A_242 = tpu.memref_slice %arg9[%dma_wait3A_240, %dma_wait3A_241] : memref<2x50xi32, #tpu.memory_space<vmem>> -> memref<1x50xi32, #tpu.memory_space<vmem>>
      %dma_wait3A_243 = tpu.memref_squeeze %dma_wait3A_242 : memref<1x50xi32, #tpu.memory_space<vmem>> -> memref<50xi32, #tpu.memory_space<vmem>>
      %dma_wait3A_244 = arith.constant 0 : i32
      %dma_wait3A_245 = arith.constant 0 : i32
      %dma_wait3A_246 = tpu.memref_slice %arg2[%dma_wait3A_244, %dma_wait3A_245] : memref<10000x128xf32, #tpu.memory_space<hbm>> -> memref<10000x128xf32, #tpu.memory_space<hbm>>
      tpu.wait_indirect_dma semaphore(%arg20 : memref<!tpu.dma_semaphore, #tpu.memory_space<semaphore_mem>>) src(%dma_wait3A_246 : memref<10000x128xf32, #tpu.memory_space<hbm>>) dst(%arg15 : memref<50x128xf32, #tpu.memory_space<vmem>>)
      %scan3A_247 = arith.constant 0 : i32
      %scan3A_248 = arith.constant 50 : i32
      %scan3A_249 = arith.addi %scan3A_247, %scan3A_248 : i32
      %scan3A_250 = arith.constant 1 : i32
      scf.for %scan3A_327 = %scan3A_247 to %scan3A_249 step %scan3A_250  : i32 {
        %mul3A_328 = arith.constant 1 : i32
        %mul3A_329 = arith.muli %scan3A_327, %mul3A_328 : i32
        %add3A_330 = arith.constant 0 : i32
        %add3A_331 = arith.addi %add3A_330, %mul3A_329 : i32
        %get3A = arith.index_cast %add3A_331 : i32 to index
        %get3A_332 = arith.constant 0 : index
        %get3A_333 = tpu.vector_load %arg11[%get3A, %get3A_332] {strides = array<i32>} : memref<50x16xf32, #tpu.memory_space<vmem>>, vector<1x16xf32>,
        %get3A_334 = vector.shape_cast %get3A_333 : vector<1x16xf32> to vector<16xf32>
        %get3A_335 = arith.index_cast %add3A_331 : i32 to index
        %get3A_336 = arith.constant 0 : index
        %get3A_337 = tpu.vector_load %arg13[%get3A_335, %get3A_336] {strides = array<i32>} : memref<50x16xf32, #tpu.memory_space<vmem>>, vector<1x16xf32>,
        %get3A_338 = vector.shape_cast %get3A_337 : vector<1x16xf32> to vector<16xf32>
        %broadcast_in_dim3A = vector.shape_cast %and3A_8 : vector<16xi32> to vector<16x1xi32>
        %gather3A = vector.shape_cast %broadcast_in_dim3A : vector<16x1xi32> to vector<16xi32>
        %gather3A_339 = tpu.dynamic_gather %get3A_338[%gather3A] in [0] : vector<16xf32>, vector<16xi32> -> vector<16xf32>
        %add3A_340 = arith.addf %get3A_334, %gather3A_339 : vector<16xf32>
        %gt3A = arith.constant 0.000000e+00 : f32
        %gt3A_341 = vector.broadcast %gt3A : f32 to vector<16xf32>
        %gt3A_342 = arith.cmpf ogt, %add3A_340, %gt3A_341 : vector<16xf32>
        %mul3A_343 = arith.constant 2.000000e-01 : f32
        %mul3A_344 = vector.broadcast %mul3A_343 : f32 to vector<16xf32>
        %mul3A_345 = arith.mulf %add3A_340, %mul3A_344 : vector<16xf32>
        %select_n3A = arith.select %gt3A_342, %add3A_340, %mul3A_345 : vector<16xi1>, vector<16xf32>
        %exp3A = math.exp %select_n3A : vector<16xf32>
        %jit3A = arith.constant 0.000000e+00 : f32
        %broadcast_in_dim3A_346 = vector.broadcast %jit3A : f32 to vector<16xf32>
        %select_n3A_347 = arith.select %lt3A_10, %exp3A, %broadcast_in_dim3A_346 : vector<16xi1>, vector<16xf32>
        %swap3A = arith.index_cast %add3A_331 : i32 to index
        %swap3A_348 = arith.constant 128 : index
        %swap3A_349 = tpu.vector_load %arg17[%swap3A, %swap3A_348] {strides = array<i32>} : memref<50x144xf32, #tpu.memory_space<vmem>>, vector<1x16xf32>,
        %swap3A_350 = vector.shape_cast %swap3A_349 : vector<1x16xf32> to vector<16xf32>
        %swap3A_351 = vector.shape_cast %select_n3A_347 : vector<16xf32> to vector<1x16xf32>
        tpu.vector_store %arg17[%swap3A, %swap3A_348], %swap3A_351 {strides = array<i32>} : memref<50x144xf32, #tpu.memory_space<vmem>>, vector<1x16xf32>,
        %broadcast_in_dim3A_352 = arith.constant 0 : i32
        %broadcast_in_dim3A_353 = vector.broadcast %broadcast_in_dim3A_352 : i32 to vector<16xi32>
        %broadcast_in_dim3A_354 = vector.shape_cast %broadcast_in_dim3A_353 : vector<16xi32> to vector<16x1xi32>
        %gather3A_355 = vector.shape_cast %broadcast_in_dim3A_354 : vector<16x1xi32> to vector<16xi32>
        %gather3A_356 = tpu.dynamic_gather %select_n3A_347[%gather3A_355] in [0] : vector<16xf32>, vector<16xi32> -> vector<16xf32>
        %get3A_357 = arith.index_cast %add3A_331 : i32 to index
        %get3A_358 = arith.constant 0 : index
        %get3A_359 = tpu.vector_load %arg15[%get3A_357, %get3A_358] {strides = array<i32>} : memref<50x128xf32, #tpu.memory_space<vmem>>, vector<1x16xf32>,
        %get3A_360 = vector.shape_cast %get3A_359 : vector<1x16xf32> to vector<16xf32>
        %mul3A_361 = arith.mulf %get3A_360, %gather3A_356 : vector<16xf32>
        %swap3A_362 = arith.index_cast %add3A_331 : i32 to index
        %swap3A_363 = arith.constant 0 : index
        %swap3A_364 = tpu.vector_load %arg17[%swap3A_362, %swap3A_363] {strides = array<i32>} : memref<50x144xf32, #tpu.memory_space<vmem>>, vector<1x16xf32>,
        %swap3A_365 = vector.shape_cast %swap3A_364 : vector<1x16xf32> to vector<16xf32>
        %swap3A_366 = vector.shape_cast %mul3A_361 : vector<16xf32> to vector<1x16xf32>
        tpu.vector_store %arg17[%swap3A_362, %swap3A_363], %swap3A_366 {strides = array<i32>} : memref<50x144xf32, #tpu.memory_space<vmem>>, vector<1x16xf32>,
        %broadcast_in_dim3A_367 = arith.constant 1 : i32
        %broadcast_in_dim3A_368 = vector.broadcast %broadcast_in_dim3A_367 : i32 to vector<16xi32>
        %broadcast_in_dim3A_369 = vector.shape_cast %broadcast_in_dim3A_368 : vector<16xi32> to vector<16x1xi32>
        %gather3A_370 = vector.shape_cast %broadcast_in_dim3A_369 : vector<16x1xi32> to vector<16xi32>
        %gather3A_371 = tpu.dynamic_gather %select_n3A_347[%gather3A_370] in [0] : vector<16xf32>, vector<16xi32> -> vector<16xf32>
        %get3A_372 = arith.index_cast %add3A_331 : i32 to index
        %get3A_373 = arith.constant 16 : index
        %get3A_374 = tpu.vector_load %arg15[%get3A_372, %get3A_373] {strides = array<i32>} : memref<50x128xf32, #tpu.memory_space<vmem>>, vector<1x16xf32>,
        %get3A_375 = vector.shape_cast %get3A_374 : vector<1x16xf32> to vector<16xf32>
        %mul3A_376 = arith.mulf %get3A_375, %gather3A_371 : vector<16xf32>
        %swap3A_377 = arith.index_cast %add3A_331 : i32 to index
        %swap3A_378 = arith.constant 16 : index
        %swap3A_379 = tpu.vector_load %arg17[%swap3A_377, %swap3A_378] {strides = array<i32>} : memref<50x144xf32, #tpu.memory_space<vmem>>, vector<1x16xf32>,
        %swap3A_380 = vector.shape_cast %swap3A_379 : vector<1x16xf32> to vector<16xf32>
        %swap3A_381 = vector.shape_cast %mul3A_376 : vector<16xf32> to vector<1x16xf32>
        tpu.vector_store %arg17[%swap3A_377, %swap3A_378], %swap3A_381 {strides = array<i32>} : memref<50x144xf32, #tpu.memory_space<vmem>>, vector<1x16xf32>,
        %broadcast_in_dim3A_382 = arith.constant 2 : i32
        %broadcast_in_dim3A_383 = vector.broadcast %broadcast_in_dim3A_382 : i32 to vector<16xi32>
        %broadcast_in_dim3A_384 = vector.shape_cast %broadcast_in_dim3A_383 : vector<16xi32> to vector<16x1xi32>
        %gather3A_385 = vector.shape_cast %broadcast_in_dim3A_384 : vector<16x1xi32> to vector<16xi32>
        %gather3A_386 = tpu.dynamic_gather %select_n3A_347[%gather3A_385] in [0] : vector<16xf32>, vector<16xi32> -> vector<16xf32>
        %get3A_387 = arith.index_cast %add3A_331 : i32 to index
        %get3A_388 = arith.constant 32 : index
        %get3A_389 = tpu.vector_load %arg15[%get3A_387, %get3A_388] {strides = array<i32>} : memref<50x128xf32, #tpu.memory_space<vmem>>, vector<1x16xf32>,
        %get3A_390 = vector.shape_cast %get3A_389 : vector<1x16xf32> to vector<16xf32>
        %mul3A_391 = arith.mulf %get3A_390, %gather3A_386 : vector<16xf32>
        %swap3A_392 = arith.index_cast %add3A_331 : i32 to index
        %swap3A_393 = arith.constant 32 : index
        %swap3A_394 = tpu.vector_load %arg17[%swap3A_392, %swap3A_393] {strides = array<i32>} : memref<50x144xf32, #tpu.memory_space<vmem>>, vector<1x16xf32>,
        %swap3A_395 = vector.shape_cast %swap3A_394 : vector<1x16xf32> to vector<16xf32>
        %swap3A_396 = vector.shape_cast %mul3A_391 : vector<16xf32> to vector<1x16xf32>
        tpu.vector_store %arg17[%swap3A_392, %swap3A_393], %swap3A_396 {strides = array<i32>} : memref<50x144xf32, #tpu.memory_space<vmem>>, vector<1x16xf32>,
        %broadcast_in_dim3A_397 = arith.constant 3 : i32
        %broadcast_in_dim3A_398 = vector.broadcast %broadcast_in_dim3A_397 : i32 to vector<16xi32>
        %broadcast_in_dim3A_399 = vector.shape_cast %broadcast_in_dim3A_398 : vector<16xi32> to vector<16x1xi32>
        %gather3A_400 = vector.shape_cast %broadcast_in_dim3A_399 : vector<16x1xi32> to vector<16xi32>
        %gather3A_401 = tpu.dynamic_gather %select_n3A_347[%gather3A_400] in [0] : vector<16xf32>, vector<16xi32> -> vector<16xf32>
        %get3A_402 = arith.index_cast %add3A_331 : i32 to index
        %get3A_403 = arith.constant 48 : index
        %get3A_404 = tpu.vector_load %arg15[%get3A_402, %get3A_403] {strides = array<i32>} : memref<50x128xf32, #tpu.memory_space<vmem>>, vector<1x16xf32>,
        %get3A_405 = vector.shape_cast %get3A_404 : vector<1x16xf32> to vector<16xf32>
        %mul3A_406 = arith.mulf %get3A_405, %gather3A_401 : vector<16xf32>
        %swap3A_407 = arith.index_cast %add3A_331 : i32 to index
        %swap3A_408 = arith.constant 48 : index
        %swap3A_409 = tpu.vector_load %arg17[%swap3A_407, %swap3A_408] {strides = array<i32>} : memref<50x144xf32, #tpu.memory_space<vmem>>, vector<1x16xf32>,
        %swap3A_410 = vector.shape_cast %swap3A_409 : vector<1x16xf32> to vector<16xf32>
        %swap3A_411 = vector.shape_cast %mul3A_406 : vector<16xf32> to vector<1x16xf32>
        tpu.vector_store %arg17[%swap3A_407, %swap3A_408], %swap3A_411 {strides = array<i32>} : memref<50x144xf32, #tpu.memory_space<vmem>>, vector<1x16xf32>,
        %broadcast_in_dim3A_412 = arith.constant 4 : i32
        %broadcast_in_dim3A_413 = vector.broadcast %broadcast_in_dim3A_412 : i32 to vector<16xi32>
        %broadcast_in_dim3A_414 = vector.shape_cast %broadcast_in_dim3A_413 : vector<16xi32> to vector<16x1xi32>
        %gather3A_415 = vector.shape_cast %broadcast_in_dim3A_414 : vector<16x1xi32> to vector<16xi32>
        %gather3A_416 = tpu.dynamic_gather %select_n3A_347[%gather3A_415] in [0] : vector<16xf32>, vector<16xi32> -> vector<16xf32>
        %get3A_417 = arith.index_cast %add3A_331 : i32 to index
        %get3A_418 = arith.constant 64 : index
        %get3A_419 = tpu.vector_load %arg15[%get3A_417, %get3A_418] {strides = array<i32>} : memref<50x128xf32, #tpu.memory_space<vmem>>, vector<1x16xf32>,
        %get3A_420 = vector.shape_cast %get3A_419 : vector<1x16xf32> to vector<16xf32>
        %mul3A_421 = arith.mulf %get3A_420, %gather3A_416 : vector<16xf32>
        %swap3A_422 = arith.index_cast %add3A_331 : i32 to index
        %swap3A_423 = arith.constant 64 : index
        %swap3A_424 = tpu.vector_load %arg17[%swap3A_422, %swap3A_423] {strides = array<i32>} : memref<50x144xf32, #tpu.memory_space<vmem>>, vector<1x16xf32>,
        %swap3A_425 = vector.shape_cast %swap3A_424 : vector<1x16xf32> to vector<16xf32>
        %swap3A_426 = vector.shape_cast %mul3A_421 : vector<16xf32> to vector<1x16xf32>
        tpu.vector_store %arg17[%swap3A_422, %swap3A_423], %swap3A_426 {strides = array<i32>} : memref<50x144xf32, #tpu.memory_space<vmem>>, vector<1x16xf32>,
        %broadcast_in_dim3A_427 = arith.constant 5 : i32
        %broadcast_in_dim3A_428 = vector.broadcast %broadcast_in_dim3A_427 : i32 to vector<16xi32>
        %broadcast_in_dim3A_429 = vector.shape_cast %broadcast_in_dim3A_428 : vector<16xi32> to vector<16x1xi32>
        %gather3A_430 = vector.shape_cast %broadcast_in_dim3A_429 : vector<16x1xi32> to vector<16xi32>
        %gather3A_431 = tpu.dynamic_gather %select_n3A_347[%gather3A_430] in [0] : vector<16xf32>, vector<16xi32> -> vector<16xf32>
        %get3A_432 = arith.index_cast %add3A_331 : i32 to index
        %get3A_433 = arith.constant 80 : index
        %get3A_434 = tpu.vector_load %arg15[%get3A_432, %get3A_433] {strides = array<i32>} : memref<50x128xf32, #tpu.memory_space<vmem>>, vector<1x16xf32>,
        %get3A_435 = vector.shape_cast %get3A_434 : vector<1x16xf32> to vector<16xf32>
        %mul3A_436 = arith.mulf %get3A_435, %gather3A_431 : vector<16xf32>
        %swap3A_437 = arith.index_cast %add3A_331 : i32 to index
        %swap3A_438 = arith.constant 80 : index
        %swap3A_439 = tpu.vector_load %arg17[%swap3A_437, %swap3A_438] {strides = array<i32>} : memref<50x144xf32, #tpu.memory_space<vmem>>, vector<1x16xf32>,
        %swap3A_440 = vector.shape_cast %swap3A_439 : vector<1x16xf32> to vector<16xf32>
        %swap3A_441 = vector.shape_cast %mul3A_436 : vector<16xf32> to vector<1x16xf32>
        tpu.vector_store %arg17[%swap3A_437, %swap3A_438], %swap3A_441 {strides = array<i32>} : memref<50x144xf32, #tpu.memory_space<vmem>>, vector<1x16xf32>,
        %broadcast_in_dim3A_442 = arith.constant 6 : i32
        %broadcast_in_dim3A_443 = vector.broadcast %broadcast_in_dim3A_442 : i32 to vector<16xi32>
        %broadcast_in_dim3A_444 = vector.shape_cast %broadcast_in_dim3A_443 : vector<16xi32> to vector<16x1xi32>
        %gather3A_445 = vector.shape_cast %broadcast_in_dim3A_444 : vector<16x1xi32> to vector<16xi32>
        %gather3A_446 = tpu.dynamic_gather %select_n3A_347[%gather3A_445] in [0] : vector<16xf32>, vector<16xi32> -> vector<16xf32>
        %get3A_447 = arith.index_cast %add3A_331 : i32 to index
        %get3A_448 = arith.constant 96 : index
        %get3A_449 = tpu.vector_load %arg15[%get3A_447, %get3A_448] {strides = array<i32>} : memref<50x128xf32, #tpu.memory_space<vmem>>, vector<1x16xf32>,
        %get3A_450 = vector.shape_cast %get3A_449 : vector<1x16xf32> to vector<16xf32>
        %mul3A_451 = arith.mulf %get3A_450, %gather3A_446 : vector<16xf32>
        %swap3A_452 = arith.index_cast %add3A_331 : i32 to index
        %swap3A_453 = arith.constant 96 : index
        %swap3A_454 = tpu.vector_load %arg17[%swap3A_452, %swap3A_453] {strides = array<i32>} : memref<50x144xf32, #tpu.memory_space<vmem>>, vector<1x16xf32>,
        %swap3A_455 = vector.shape_cast %swap3A_454 : vector<1x16xf32> to vector<16xf32>
        %swap3A_456 = vector.shape_cast %mul3A_451 : vector<16xf32> to vector<1x16xf32>
        tpu.vector_store %arg17[%swap3A_452, %swap3A_453], %swap3A_456 {strides = array<i32>} : memref<50x144xf32, #tpu.memory_space<vmem>>, vector<1x16xf32>,
        %broadcast_in_dim3A_457 = arith.constant 7 : i32
        %broadcast_in_dim3A_458 = vector.broadcast %broadcast_in_dim3A_457 : i32 to vector<16xi32>
        %broadcast_in_dim3A_459 = vector.shape_cast %broadcast_in_dim3A_458 : vector<16xi32> to vector<16x1xi32>
        %gather3A_460 = vector.shape_cast %broadcast_in_dim3A_459 : vector<16x1xi32> to vector<16xi32>
        %gather3A_461 = tpu.dynamic_gather %select_n3A_347[%gather3A_460] in [0] : vector<16xf32>, vector<16xi32> -> vector<16xf32>
        %get3A_462 = arith.index_cast %add3A_331 : i32 to index
        %get3A_463 = arith.constant 112 : index
        %get3A_464 = tpu.vector_load %arg15[%get3A_462, %get3A_463] {strides = array<i32>} : memref<50x128xf32, #tpu.memory_space<vmem>>, vector<1x16xf32>,
        %get3A_465 = vector.shape_cast %get3A_464 : vector<1x16xf32> to vector<16xf32>
        %mul3A_466 = arith.mulf %get3A_465, %gather3A_461 : vector<16xf32>
        %swap3A_467 = arith.index_cast %add3A_331 : i32 to index
        %swap3A_468 = arith.constant 112 : index
        %swap3A_469 = tpu.vector_load %arg17[%swap3A_467, %swap3A_468] {strides = array<i32>} : memref<50x144xf32, #tpu.memory_space<vmem>>, vector<1x16xf32>,
        %swap3A_470 = vector.shape_cast %swap3A_469 : vector<1x16xf32> to vector<16xf32>
        %swap3A_471 = vector.shape_cast %mul3A_466 : vector<16xf32> to vector<1x16xf32>
        tpu.vector_store %arg17[%swap3A_467, %swap3A_468], %swap3A_471 {strides = array<i32>} : memref<50x144xf32, #tpu.memory_space<vmem>>, vector<1x16xf32>,
      }
      %scan3A_251 = arith.constant 50 : i32
      %dma_start3A_252 = arith.constant 1 : i32
      %dma_start3A_253 = arith.constant 0 : i32
      %dma_start3A_254 = tpu.memref_slice %arg9[%dma_start3A_252, %dma_start3A_253] : memref<2x50xi32, #tpu.memory_space<vmem>> -> memref<1x50xi32, #tpu.memory_space<vmem>>
      %dma_start3A_255 = tpu.memref_squeeze %dma_start3A_254 : memref<1x50xi32, #tpu.memory_space<vmem>> -> memref<50xi32, #tpu.memory_space<vmem>>
      %dma_start3A_256 = arith.constant 0 : i32
      %dma_start3A_257 = arith.constant 0 : i32
      %dma_start3A_258 = tpu.memref_slice %arg19[%dma_start3A_256, %dma_start3A_257] : memref<10240x144xf32, #tpu.memory_space<vmem_shared>> -> memref<10240x144xf32, #tpu.memory_space<vmem_shared>>
      tpu.enqueue_indirect_dma source(%arg17 : memref<50x144xf32, #tpu.memory_space<vmem>>) target(%dma_start3A_258 : memref<10240x144xf32, #tpu.memory_space<vmem_shared>>) offsets(%dma_start3A_255 : memref<50xi32, #tpu.memory_space<vmem>>) semaphore(%arg22 : memref<!tpu.dma_semaphore, #tpu.memory_space<semaphore_mem>>) {add = true}
      %mul3A_259 = arith.constant 4 : i32
      %mul3A_260 = arith.muli %mul3A_259, %add3A_57 : i32
      %add3A_261 = arith.constant 3 : i32
      %add3A_262 = arith.addi %mul3A_260, %add3A_261 : i32
      %ge3A_263 = arith.constant 2 : i32
      %ge3A_264 = arith.cmpi sge, %add3A_262, %ge3A_263 : i32
      %convert_element_type3A_265 = arith.extui %ge3A_264 : i1 to i32
      %cond3A_266 = arith.constant 0 : i32
      %cond3A_267 = arith.cmpi ne, %convert_element_type3A_265, %cond3A_266 : i32
      scf.if %cond3A_267 {
        %dma_wait3A_327 = arith.constant 1 : i32
        %dma_wait3A_328 = arith.constant 0 : i32
        %dma_wait3A_329 = tpu.memref_slice %arg8[%dma_wait3A_327, %dma_wait3A_328] : memref<2x50xi32, #tpu.memory_space<vmem>> -> memref<1x50xi32, #tpu.memory_space<vmem>>
        %dma_wait3A_330 = tpu.memref_squeeze %dma_wait3A_329 : memref<1x50xi32, #tpu.memory_space<vmem>> -> memref<50xi32, #tpu.memory_space<vmem>>
        %dma_wait3A_331 = arith.constant 0 : i32
        %dma_wait3A_332 = arith.constant 0 : i32
        %dma_wait3A_333 = tpu.memref_slice %arg19[%dma_wait3A_331, %dma_wait3A_332] : memref<10240x144xf32, #tpu.memory_space<vmem_shared>> -> memref<10240x144xf32, #tpu.memory_space<vmem_shared>>
        tpu.wait_indirect_dma semaphore(%arg23 : memref<!tpu.dma_semaphore, #tpu.memory_space<semaphore_mem>>) src(%arg18 : memref<50x144xf32, #tpu.memory_space<vmem>>) dst(%dma_wait3A_333 : memref<10240x144xf32, #tpu.memory_space<vmem_shared>>)
      } else {
      }
      %add3A_268 = arith.constant 2 : i32
      %add3A_269 = arith.addi %add3A_262, %add3A_268 : i32
      %lt3A_270 = arith.constant 200 : i32
      %lt3A_271 = arith.cmpi slt, %add3A_269, %lt3A_270 : i32
      %convert_element_type3A_272 = arith.extui %lt3A_271 : i1 to i32
      %cond3A_273 = arith.constant 0 : i32
      %cond3A_274 = arith.cmpi ne, %convert_element_type3A_272, %cond3A_273 : i32
      scf.if %cond3A_274 {
        %add3A_327 = arith.constant 2 : i32
        %add3A_328 = arith.addi %add3A_262, %add3A_327 : i32
        %dma_start3A_329 = arith.constant 0 : i32
        %dma_start3A_330 = arith.constant 0 : i32
        %dma_start3A_331 = tpu.memref_slice %arg4[%add3A, %add3A_328, %dma_start3A_329, %dma_start3A_330] : memref<32x200x2x50xi32, #tpu.memory_space<hbm>> -> memref<1x1x2x50xi32, #tpu.memory_space<hbm>>
        %dma_start3A_332 = tpu.memref_squeeze %dma_start3A_331 : memref<1x1x2x50xi32, #tpu.memory_space<hbm>> -> memref<2x50xi32, #tpu.memory_space<hbm>>
        %dma_start3A_333 = arith.constant 0 : i32
        %dma_start3A_334 = arith.constant 0 : i32
        %dma_start3A_335 = tpu.memref_slice %arg4[%add3A, %add3A_328, %dma_start3A_333, %dma_start3A_334] : memref<32x200x2x50xi32, #tpu.memory_space<hbm>> -> memref<1x1x2x50xi32, #tpu.memory_space<hbm>>
        %dma_start3A_336 = tpu.memref_squeeze %dma_start3A_335 : memref<1x1x2x50xi32, #tpu.memory_space<hbm>> -> memref<2x50xi32, #tpu.memory_space<hbm>>
        tpu.enqueue_dma source(%dma_start3A_336 : memref<2x50xi32, #tpu.memory_space<hbm>>) target(%arg8 : memref<2x50xi32, #tpu.memory_space<vmem>>) target_semaphore(%arg24 : memref<!tpu.dma_semaphore, #tpu.memory_space<semaphore_mem>>)
      } else {
      }
      %add3A_275 = arith.constant 1 : i32
      %add3A_276 = arith.addi %add3A_262, %add3A_275 : i32
      %ge3A_277 = arith.constant 2 : i32
      %ge3A_278 = arith.cmpi sge, %add3A_276, %ge3A_277 : i32
      %add3A_279 = arith.constant 1 : i32
      %add3A_280 = arith.addi %add3A_262, %add3A_279 : i32
      %lt3A_281 = arith.constant 200 : i32
      %lt3A_282 = arith.cmpi slt, %add3A_280, %lt3A_281 : i32
      %and3A_283 = arith.andi %ge3A_278, %lt3A_282 : i1
      %convert_element_type3A_284 = arith.extui %and3A_283 : i1 to i32
      %cond3A_285 = arith.constant 0 : i32
      %cond3A_286 = arith.cmpi ne, %convert_element_type3A_284, %cond3A_285 : i32
      scf.if %cond3A_286 {
        %add3A_327 = arith.constant 1 : i32
        %add3A_328 = arith.addi %add3A_262, %add3A_327 : i32
        %dma_wait3A_329 = arith.constant 0 : i32
        %dma_wait3A_330 = arith.constant 0 : i32
        %dma_wait3A_331 = tpu.memref_slice %arg4[%add3A, %add3A_328, %dma_wait3A_329, %dma_wait3A_330] : memref<32x200x2x50xi32, #tpu.memory_space<hbm>> -> memref<1x1x2x50xi32, #tpu.memory_space<hbm>>
        %dma_wait3A_332 = tpu.memref_squeeze %dma_wait3A_331 : memref<1x1x2x50xi32, #tpu.memory_space<hbm>> -> memref<2x50xi32, #tpu.memory_space<hbm>>
        %dma_wait3A_333 = arith.constant 0 : i32
        %dma_wait3A_334 = arith.constant 0 : i32
        %dma_wait3A_335 = tpu.memref_slice %arg4[%add3A, %add3A_328, %dma_wait3A_333, %dma_wait3A_334] : memref<32x200x2x50xi32, #tpu.memory_space<hbm>> -> memref<1x1x2x50xi32, #tpu.memory_space<hbm>>
        %dma_wait3A_336 = tpu.memref_squeeze %dma_wait3A_335 : memref<1x1x2x50xi32, #tpu.memory_space<hbm>> -> memref<2x50xi32, #tpu.memory_space<hbm>>
        tpu.wait_dma2 semaphore(%arg24 : memref<!tpu.dma_semaphore, #tpu.memory_space<semaphore_mem>>) src(%dma_wait3A_336 : memref<2x50xi32, #tpu.memory_space<hbm>>) dst(%arg7 : memref<2x50xi32, #tpu.memory_space<vmem>>)
      } else {
      }
      %add3A_287 = arith.constant 1 : i32
      %add3A_288 = arith.addi %add3A_262, %add3A_287 : i32
      %lt3A_289 = arith.constant 200 : i32
      %lt3A_290 = arith.cmpi slt, %add3A_288, %lt3A_289 : i32
      %convert_element_type3A_291 = arith.extui %lt3A_290 : i1 to i32
      %cond3A_292 = arith.constant 0 : i32
      %cond3A_293 = arith.cmpi ne, %convert_element_type3A_291, %cond3A_292 : i32
      scf.if %cond3A_293 {
        %dma_start3A_327 = arith.constant 0 : i32
        %dma_start3A_328 = arith.constant 0 : i32
        %dma_start3A_329 = tpu.memref_slice %arg7[%dma_start3A_327, %dma_start3A_328] : memref<2x50xi32, #tpu.memory_space<vmem>> -> memref<1x50xi32, #tpu.memory_space<vmem>>
        %dma_start3A_330 = tpu.memref_squeeze %dma_start3A_329 : memref<1x50xi32, #tpu.memory_space<vmem>> -> memref<50xi32, #tpu.memory_space<vmem>>
        %dma_start3A_331 = arith.constant 0 : i32
        %dma_start3A_332 = arith.constant 0 : i32
        %dma_start3A_333 = tpu.memref_slice %arg3[%dma_start3A_331, %dma_start3A_332] : memref<10000x16xf32, #tpu.memory_space<hbm>> -> memref<10000x16xf32, #tpu.memory_space<hbm>>
        tpu.enqueue_indirect_dma source(%dma_start3A_333 : memref<10000x16xf32, #tpu.memory_space<hbm>>) target(%arg11 : memref<50x16xf32, #tpu.memory_space<vmem>>) offsets(%dma_start3A_330 : memref<50xi32, #tpu.memory_space<vmem>>) semaphore(%arg20 : memref<!tpu.dma_semaphore, #tpu.memory_space<semaphore_mem>>)
        %dma_start3A_334 = arith.constant 1 : i32
        %dma_start3A_335 = arith.constant 0 : i32
        %dma_start3A_336 = tpu.memref_slice %arg7[%dma_start3A_334, %dma_start3A_335] : memref<2x50xi32, #tpu.memory_space<vmem>> -> memref<1x50xi32, #tpu.memory_space<vmem>>
        %dma_start3A_337 = tpu.memref_squeeze %dma_start3A_336 : memref<1x50xi32, #tpu.memory_space<vmem>> -> memref<50xi32, #tpu.memory_space<vmem>>
        %dma_start3A_338 = arith.constant 0 : i32
        %dma_start3A_339 = arith.constant 0 : i32
        %dma_start3A_340 = tpu.memref_slice %arg3[%dma_start3A_338, %dma_start3A_339] : memref<10000x16xf32, #tpu.memory_space<hbm>> -> memref<10000x16xf32, #tpu.memory_space<hbm>>
        tpu.enqueue_indirect_dma source(%dma_start3A_340 : memref<10000x16xf32, #tpu.memory_space<hbm>>) target(%arg13 : memref<50x16xf32, #tpu.memory_space<vmem>>) offsets(%dma_start3A_337 : memref<50xi32, #tpu.memory_space<vmem>>) semaphore(%arg20 : memref<!tpu.dma_semaphore, #tpu.memory_space<semaphore_mem>>)
        %dma_start3A_341 = arith.constant 0 : i32
        %dma_start3A_342 = arith.constant 0 : i32
        %dma_start3A_343 = tpu.memref_slice %arg7[%dma_start3A_341, %dma_start3A_342] : memref<2x50xi32, #tpu.memory_space<vmem>> -> memref<1x50xi32, #tpu.memory_space<vmem>>
        %dma_start3A_344 = tpu.memref_squeeze %dma_start3A_343 : memref<1x50xi32, #tpu.memory_space<vmem>> -> memref<50xi32, #tpu.memory_space<vmem>>
        %dma_start3A_345 = arith.constant 0 : i32
        %dma_start3A_346 = arith.constant 0 : i32
        %dma_start3A_347 = tpu.memref_slice %arg2[%dma_start3A_345, %dma_start3A_346] : memref<10000x128xf32, #tpu.memory_space<hbm>> -> memref<10000x128xf32, #tpu.memory_space<hbm>>
        tpu.enqueue_indirect_dma source(%dma_start3A_347 : memref<10000x128xf32, #tpu.memory_space<hbm>>) target(%arg15 : memref<50x128xf32, #tpu.memory_space<vmem>>) offsets(%dma_start3A_344 : memref<50xi32, #tpu.memory_space<vmem>>) semaphore(%arg20 : memref<!tpu.dma_semaphore, #tpu.memory_space<semaphore_mem>>)
      } else {
      }
      %dma_wait3A_294 = arith.constant 0 : i32
      %dma_wait3A_295 = arith.constant 0 : i32
      %dma_wait3A_296 = tpu.memref_slice %arg10[%dma_wait3A_294, %dma_wait3A_295] : memref<2x50xi32, #tpu.memory_space<vmem>> -> memref<1x50xi32, #tpu.memory_space<vmem>>
      %dma_wait3A_297 = tpu.memref_squeeze %dma_wait3A_296 : memref<1x50xi32, #tpu.memory_space<vmem>> -> memref<50xi32, #tpu.memory_space<vmem>>
      %dma_wait3A_298 = arith.constant 0 : i32
      %dma_wait3A_299 = arith.constant 0 : i32
      %dma_wait3A_300 = tpu.memref_slice %arg3[%dma_wait3A_298, %dma_wait3A_299] : memref<10000x16xf32, #tpu.memory_space<hbm>> -> memref<10000x16xf32, #tpu.memory_space<hbm>>
      tpu.wait_indirect_dma semaphore(%arg21 : memref<!tpu.dma_semaphore, #tpu.memory_space<semaphore_mem>>) src(%dma_wait3A_300 : memref<10000x16xf32, #tpu.memory_space<hbm>>) dst(%arg12 : memref<50x16xf32, #tpu.memory_space<vmem>>)
      %dma_wait3A_301 = arith.constant 1 : i32
      %dma_wait3A_302 = arith.constant 0 : i32
      %dma_wait3A_303 = tpu.memref_slice %arg10[%dma_wait3A_301, %dma_wait3A_302] : memref<2x50xi32, #tpu.memory_space<vmem>> -> memref<1x50xi32, #tpu.memory_space<vmem>>
      %dma_wait3A_304 = tpu.memref_squeeze %dma_wait3A_303 : memref<1x50xi32, #tpu.memory_space<vmem>> -> memref<50xi32, #tpu.memory_space<vmem>>
      %dma_wait3A_305 = arith.constant 0 : i32
      %dma_wait3A_306 = arith.constant 0 : i32
      %dma_wait3A_307 = tpu.memref_slice %arg3[%dma_wait3A_305, %dma_wait3A_306] : memref<10000x16xf32, #tpu.memory_space<hbm>> -> memref<10000x16xf32, #tpu.memory_space<hbm>>
      tpu.wait_indirect_dma semaphore(%arg21 : memref<!tpu.dma_semaphore, #tpu.memory_space<semaphore_mem>>) src(%dma_wait3A_307 : memref<10000x16xf32, #tpu.memory_space<hbm>>) dst(%arg14 : memref<50x16xf32, #tpu.memory_space<vmem>>)
      %dma_wait3A_308 = arith.constant 0 : i32
      %dma_wait3A_309 = arith.constant 0 : i32
      %dma_wait3A_310 = tpu.memref_slice %arg10[%dma_wait3A_308, %dma_wait3A_309] : memref<2x50xi32, #tpu.memory_space<vmem>> -> memref<1x50xi32, #tpu.memory_space<vmem>>
      %dma_wait3A_311 = tpu.memref_squeeze %dma_wait3A_310 : memref<1x50xi32, #tpu.memory_space<vmem>> -> memref<50xi32, #tpu.memory_space<vmem>>
      %dma_wait3A_312 = arith.constant 0 : i32
      %dma_wait3A_313 = arith.constant 0 : i32
      %dma_wait3A_314 = tpu.memref_slice %arg2[%dma_wait3A_312, %dma_wait3A_313] : memref<10000x128xf32, #tpu.memory_space<hbm>> -> memref<10000x128xf32, #tpu.memory_space<hbm>>
      tpu.wait_indirect_dma semaphore(%arg21 : memref<!tpu.dma_semaphore, #tpu.memory_space<semaphore_mem>>) src(%dma_wait3A_314 : memref<10000x128xf32, #tpu.memory_space<hbm>>) dst(%arg16 : memref<50x128xf32, #tpu.memory_space<vmem>>)
      %scan3A_315 = arith.constant 0 : i32
      %scan3A_316 = arith.constant 50 : i32
      %scan3A_317 = arith.addi %scan3A_315, %scan3A_316 : i32
      %scan3A_318 = arith.constant 1 : i32
      scf.for %scan3A_327 = %scan3A_315 to %scan3A_317 step %scan3A_318  : i32 {
        %mul3A_328 = arith.constant 1 : i32
        %mul3A_329 = arith.muli %scan3A_327, %mul3A_328 : i32
        %add3A_330 = arith.constant 0 : i32
        %add3A_331 = arith.addi %add3A_330, %mul3A_329 : i32
        %get3A = arith.index_cast %add3A_331 : i32 to index
        %get3A_332 = arith.constant 0 : index
        %get3A_333 = tpu.vector_load %arg12[%get3A, %get3A_332] {strides = array<i32>} : memref<50x16xf32, #tpu.memory_space<vmem>>, vector<1x16xf32>,
        %get3A_334 = vector.shape_cast %get3A_333 : vector<1x16xf32> to vector<16xf32>
        %get3A_335 = arith.index_cast %add3A_331 : i32 to index
        %get3A_336 = arith.constant 0 : index
        %get3A_337 = tpu.vector_load %arg14[%get3A_335, %get3A_336] {strides = array<i32>} : memref<50x16xf32, #tpu.memory_space<vmem>>, vector<1x16xf32>,
        %get3A_338 = vector.shape_cast %get3A_337 : vector<1x16xf32> to vector<16xf32>
        %broadcast_in_dim3A = vector.shape_cast %and3A_8 : vector<16xi32> to vector<16x1xi32>
        %gather3A = vector.shape_cast %broadcast_in_dim3A : vector<16x1xi32> to vector<16xi32>
        %gather3A_339 = tpu.dynamic_gather %get3A_338[%gather3A] in [0] : vector<16xf32>, vector<16xi32> -> vector<16xf32>
        %add3A_340 = arith.addf %get3A_334, %gather3A_339 : vector<16xf32>
        %gt3A = arith.constant 0.000000e+00 : f32
        %gt3A_341 = vector.broadcast %gt3A : f32 to vector<16xf32>
        %gt3A_342 = arith.cmpf ogt, %add3A_340, %gt3A_341 : vector<16xf32>
        %mul3A_343 = arith.constant 2.000000e-01 : f32
        %mul3A_344 = vector.broadcast %mul3A_343 : f32 to vector<16xf32>
        %mul3A_345 = arith.mulf %add3A_340, %mul3A_344 : vector<16xf32>
        %select_n3A = arith.select %gt3A_342, %add3A_340, %mul3A_345 : vector<16xi1>, vector<16xf32>
        %exp3A = math.exp %select_n3A : vector<16xf32>
        %jit3A = arith.constant 0.000000e+00 : f32
        %broadcast_in_dim3A_346 = vector.broadcast %jit3A : f32 to vector<16xf32>
        %select_n3A_347 = arith.select %lt3A_10, %exp3A, %broadcast_in_dim3A_346 : vector<16xi1>, vector<16xf32>
        %swap3A = arith.index_cast %add3A_331 : i32 to index
        %swap3A_348 = arith.constant 128 : index
        %swap3A_349 = tpu.vector_load %arg18[%swap3A, %swap3A_348] {strides = array<i32>} : memref<50x144xf32, #tpu.memory_space<vmem>>, vector<1x16xf32>,
        %swap3A_350 = vector.shape_cast %swap3A_349 : vector<1x16xf32> to vector<16xf32>
        %swap3A_351 = vector.shape_cast %select_n3A_347 : vector<16xf32> to vector<1x16xf32>
        tpu.vector_store %arg18[%swap3A, %swap3A_348], %swap3A_351 {strides = array<i32>} : memref<50x144xf32, #tpu.memory_space<vmem>>, vector<1x16xf32>,
        %broadcast_in_dim3A_352 = arith.constant 0 : i32
        %broadcast_in_dim3A_353 = vector.broadcast %broadcast_in_dim3A_352 : i32 to vector<16xi32>
        %broadcast_in_dim3A_354 = vector.shape_cast %broadcast_in_dim3A_353 : vector<16xi32> to vector<16x1xi32>
        %gather3A_355 = vector.shape_cast %broadcast_in_dim3A_354 : vector<16x1xi32> to vector<16xi32>
        %gather3A_356 = tpu.dynamic_gather %select_n3A_347[%gather3A_355] in [0] : vector<16xf32>, vector<16xi32> -> vector<16xf32>
        %get3A_357 = arith.index_cast %add3A_331 : i32 to index
        %get3A_358 = arith.constant 0 : index
        %get3A_359 = tpu.vector_load %arg16[%get3A_357, %get3A_358] {strides = array<i32>} : memref<50x128xf32, #tpu.memory_space<vmem>>, vector<1x16xf32>,
        %get3A_360 = vector.shape_cast %get3A_359 : vector<1x16xf32> to vector<16xf32>
        %mul3A_361 = arith.mulf %get3A_360, %gather3A_356 : vector<16xf32>
        %swap3A_362 = arith.index_cast %add3A_331 : i32 to index
        %swap3A_363 = arith.constant 0 : index
        %swap3A_364 = tpu.vector_load %arg18[%swap3A_362, %swap3A_363] {strides = array<i32>} : memref<50x144xf32, #tpu.memory_space<vmem>>, vector<1x16xf32>,
        %swap3A_365 = vector.shape_cast %swap3A_364 : vector<1x16xf32> to vector<16xf32>
        %swap3A_366 = vector.shape_cast %mul3A_361 : vector<16xf32> to vector<1x16xf32>
        tpu.vector_store %arg18[%swap3A_362, %swap3A_363], %swap3A_366 {strides = array<i32>} : memref<50x144xf32, #tpu.memory_space<vmem>>, vector<1x16xf32>,
        %broadcast_in_dim3A_367 = arith.constant 1 : i32
        %broadcast_in_dim3A_368 = vector.broadcast %broadcast_in_dim3A_367 : i32 to vector<16xi32>
        %broadcast_in_dim3A_369 = vector.shape_cast %broadcast_in_dim3A_368 : vector<16xi32> to vector<16x1xi32>
        %gather3A_370 = vector.shape_cast %broadcast_in_dim3A_369 : vector<16x1xi32> to vector<16xi32>
        %gather3A_371 = tpu.dynamic_gather %select_n3A_347[%gather3A_370] in [0] : vector<16xf32>, vector<16xi32> -> vector<16xf32>
        %get3A_372 = arith.index_cast %add3A_331 : i32 to index
        %get3A_373 = arith.constant 16 : index
        %get3A_374 = tpu.vector_load %arg16[%get3A_372, %get3A_373] {strides = array<i32>} : memref<50x128xf32, #tpu.memory_space<vmem>>, vector<1x16xf32>,
        %get3A_375 = vector.shape_cast %get3A_374 : vector<1x16xf32> to vector<16xf32>
        %mul3A_376 = arith.mulf %get3A_375, %gather3A_371 : vector<16xf32>
        %swap3A_377 = arith.index_cast %add3A_331 : i32 to index
        %swap3A_378 = arith.constant 16 : index
        %swap3A_379 = tpu.vector_load %arg18[%swap3A_377, %swap3A_378] {strides = array<i32>} : memref<50x144xf32, #tpu.memory_space<vmem>>, vector<1x16xf32>,
        %swap3A_380 = vector.shape_cast %swap3A_379 : vector<1x16xf32> to vector<16xf32>
        %swap3A_381 = vector.shape_cast %mul3A_376 : vector<16xf32> to vector<1x16xf32>
        tpu.vector_store %arg18[%swap3A_377, %swap3A_378], %swap3A_381 {strides = array<i32>} : memref<50x144xf32, #tpu.memory_space<vmem>>, vector<1x16xf32>,
        %broadcast_in_dim3A_382 = arith.constant 2 : i32
        %broadcast_in_dim3A_383 = vector.broadcast %broadcast_in_dim3A_382 : i32 to vector<16xi32>
        %broadcast_in_dim3A_384 = vector.shape_cast %broadcast_in_dim3A_383 : vector<16xi32> to vector<16x1xi32>
        %gather3A_385 = vector.shape_cast %broadcast_in_dim3A_384 : vector<16x1xi32> to vector<16xi32>
        %gather3A_386 = tpu.dynamic_gather %select_n3A_347[%gather3A_385] in [0] : vector<16xf32>, vector<16xi32> -> vector<16xf32>
        %get3A_387 = arith.index_cast %add3A_331 : i32 to index
        %get3A_388 = arith.constant 32 : index
        %get3A_389 = tpu.vector_load %arg16[%get3A_387, %get3A_388] {strides = array<i32>} : memref<50x128xf32, #tpu.memory_space<vmem>>, vector<1x16xf32>,
        %get3A_390 = vector.shape_cast %get3A_389 : vector<1x16xf32> to vector<16xf32>
        %mul3A_391 = arith.mulf %get3A_390, %gather3A_386 : vector<16xf32>
        %swap3A_392 = arith.index_cast %add3A_331 : i32 to index
        %swap3A_393 = arith.constant 32 : index
        %swap3A_394 = tpu.vector_load %arg18[%swap3A_392, %swap3A_393] {strides = array<i32>} : memref<50x144xf32, #tpu.memory_space<vmem>>, vector<1x16xf32>,
        %swap3A_395 = vector.shape_cast %swap3A_394 : vector<1x16xf32> to vector<16xf32>
        %swap3A_396 = vector.shape_cast %mul3A_391 : vector<16xf32> to vector<1x16xf32>
        tpu.vector_store %arg18[%swap3A_392, %swap3A_393], %swap3A_396 {strides = array<i32>} : memref<50x144xf32, #tpu.memory_space<vmem>>, vector<1x16xf32>,
        %broadcast_in_dim3A_397 = arith.constant 3 : i32
        %broadcast_in_dim3A_398 = vector.broadcast %broadcast_in_dim3A_397 : i32 to vector<16xi32>
        %broadcast_in_dim3A_399 = vector.shape_cast %broadcast_in_dim3A_398 : vector<16xi32> to vector<16x1xi32>
        %gather3A_400 = vector.shape_cast %broadcast_in_dim3A_399 : vector<16x1xi32> to vector<16xi32>
        %gather3A_401 = tpu.dynamic_gather %select_n3A_347[%gather3A_400] in [0] : vector<16xf32>, vector<16xi32> -> vector<16xf32>
        %get3A_402 = arith.index_cast %add3A_331 : i32 to index
        %get3A_403 = arith.constant 48 : index
        %get3A_404 = tpu.vector_load %arg16[%get3A_402, %get3A_403] {strides = array<i32>} : memref<50x128xf32, #tpu.memory_space<vmem>>, vector<1x16xf32>,
        %get3A_405 = vector.shape_cast %get3A_404 : vector<1x16xf32> to vector<16xf32>
        %mul3A_406 = arith.mulf %get3A_405, %gather3A_401 : vector<16xf32>
        %swap3A_407 = arith.index_cast %add3A_331 : i32 to index
        %swap3A_408 = arith.constant 48 : index
        %swap3A_409 = tpu.vector_load %arg18[%swap3A_407, %swap3A_408] {strides = array<i32>} : memref<50x144xf32, #tpu.memory_space<vmem>>, vector<1x16xf32>,
        %swap3A_410 = vector.shape_cast %swap3A_409 : vector<1x16xf32> to vector<16xf32>
        %swap3A_411 = vector.shape_cast %mul3A_406 : vector<16xf32> to vector<1x16xf32>
        tpu.vector_store %arg18[%swap3A_407, %swap3A_408], %swap3A_411 {strides = array<i32>} : memref<50x144xf32, #tpu.memory_space<vmem>>, vector<1x16xf32>,
        %broadcast_in_dim3A_412 = arith.constant 4 : i32
        %broadcast_in_dim3A_413 = vector.broadcast %broadcast_in_dim3A_412 : i32 to vector<16xi32>
        %broadcast_in_dim3A_414 = vector.shape_cast %broadcast_in_dim3A_413 : vector<16xi32> to vector<16x1xi32>
        %gather3A_415 = vector.shape_cast %broadcast_in_dim3A_414 : vector<16x1xi32> to vector<16xi32>
        %gather3A_416 = tpu.dynamic_gather %select_n3A_347[%gather3A_415] in [0] : vector<16xf32>, vector<16xi32> -> vector<16xf32>
        %get3A_417 = arith.index_cast %add3A_331 : i32 to index
        %get3A_418 = arith.constant 64 : index
        %get3A_419 = tpu.vector_load %arg16[%get3A_417, %get3A_418] {strides = array<i32>} : memref<50x128xf32, #tpu.memory_space<vmem>>, vector<1x16xf32>,
        %get3A_420 = vector.shape_cast %get3A_419 : vector<1x16xf32> to vector<16xf32>
        %mul3A_421 = arith.mulf %get3A_420, %gather3A_416 : vector<16xf32>
        %swap3A_422 = arith.index_cast %add3A_331 : i32 to index
        %swap3A_423 = arith.constant 64 : index
        %swap3A_424 = tpu.vector_load %arg18[%swap3A_422, %swap3A_423] {strides = array<i32>} : memref<50x144xf32, #tpu.memory_space<vmem>>, vector<1x16xf32>,
        %swap3A_425 = vector.shape_cast %swap3A_424 : vector<1x16xf32> to vector<16xf32>
        %swap3A_426 = vector.shape_cast %mul3A_421 : vector<16xf32> to vector<1x16xf32>
        tpu.vector_store %arg18[%swap3A_422, %swap3A_423], %swap3A_426 {strides = array<i32>} : memref<50x144xf32, #tpu.memory_space<vmem>>, vector<1x16xf32>,
        %broadcast_in_dim3A_427 = arith.constant 5 : i32
        %broadcast_in_dim3A_428 = vector.broadcast %broadcast_in_dim3A_427 : i32 to vector<16xi32>
        %broadcast_in_dim3A_429 = vector.shape_cast %broadcast_in_dim3A_428 : vector<16xi32> to vector<16x1xi32>
        %gather3A_430 = vector.shape_cast %broadcast_in_dim3A_429 : vector<16x1xi32> to vector<16xi32>
        %gather3A_431 = tpu.dynamic_gather %select_n3A_347[%gather3A_430] in [0] : vector<16xf32>, vector<16xi32> -> vector<16xf32>
        %get3A_432 = arith.index_cast %add3A_331 : i32 to index
        %get3A_433 = arith.constant 80 : index
        %get3A_434 = tpu.vector_load %arg16[%get3A_432, %get3A_433] {strides = array<i32>} : memref<50x128xf32, #tpu.memory_space<vmem>>, vector<1x16xf32>,
        %get3A_435 = vector.shape_cast %get3A_434 : vector<1x16xf32> to vector<16xf32>
        %mul3A_436 = arith.mulf %get3A_435, %gather3A_431 : vector<16xf32>
        %swap3A_437 = arith.index_cast %add3A_331 : i32 to index
        %swap3A_438 = arith.constant 80 : index
        %swap3A_439 = tpu.vector_load %arg18[%swap3A_437, %swap3A_438] {strides = array<i32>} : memref<50x144xf32, #tpu.memory_space<vmem>>, vector<1x16xf32>,
        %swap3A_440 = vector.shape_cast %swap3A_439 : vector<1x16xf32> to vector<16xf32>
        %swap3A_441 = vector.shape_cast %mul3A_436 : vector<16xf32> to vector<1x16xf32>
        tpu.vector_store %arg18[%swap3A_437, %swap3A_438], %swap3A_441 {strides = array<i32>} : memref<50x144xf32, #tpu.memory_space<vmem>>, vector<1x16xf32>,
        %broadcast_in_dim3A_442 = arith.constant 6 : i32
        %broadcast_in_dim3A_443 = vector.broadcast %broadcast_in_dim3A_442 : i32 to vector<16xi32>
        %broadcast_in_dim3A_444 = vector.shape_cast %broadcast_in_dim3A_443 : vector<16xi32> to vector<16x1xi32>
        %gather3A_445 = vector.shape_cast %broadcast_in_dim3A_444 : vector<16x1xi32> to vector<16xi32>
        %gather3A_446 = tpu.dynamic_gather %select_n3A_347[%gather3A_445] in [0] : vector<16xf32>, vector<16xi32> -> vector<16xf32>
        %get3A_447 = arith.index_cast %add3A_331 : i32 to index
        %get3A_448 = arith.constant 96 : index
        %get3A_449 = tpu.vector_load %arg16[%get3A_447, %get3A_448] {strides = array<i32>} : memref<50x128xf32, #tpu.memory_space<vmem>>, vector<1x16xf32>,
        %get3A_450 = vector.shape_cast %get3A_449 : vector<1x16xf32> to vector<16xf32>
        %mul3A_451 = arith.mulf %get3A_450, %gather3A_446 : vector<16xf32>
        %swap3A_452 = arith.index_cast %add3A_331 : i32 to index
        %swap3A_453 = arith.constant 96 : index
        %swap3A_454 = tpu.vector_load %arg18[%swap3A_452, %swap3A_453] {strides = array<i32>} : memref<50x144xf32, #tpu.memory_space<vmem>>, vector<1x16xf32>,
        %swap3A_455 = vector.shape_cast %swap3A_454 : vector<1x16xf32> to vector<16xf32>
        %swap3A_456 = vector.shape_cast %mul3A_451 : vector<16xf32> to vector<1x16xf32>
        tpu.vector_store %arg18[%swap3A_452, %swap3A_453], %swap3A_456 {strides = array<i32>} : memref<50x144xf32, #tpu.memory_space<vmem>>, vector<1x16xf32>,
        %broadcast_in_dim3A_457 = arith.constant 7 : i32
        %broadcast_in_dim3A_458 = vector.broadcast %broadcast_in_dim3A_457 : i32 to vector<16xi32>
        %broadcast_in_dim3A_459 = vector.shape_cast %broadcast_in_dim3A_458 : vector<16xi32> to vector<16x1xi32>
        %gather3A_460 = vector.shape_cast %broadcast_in_dim3A_459 : vector<16x1xi32> to vector<16xi32>
        %gather3A_461 = tpu.dynamic_gather %select_n3A_347[%gather3A_460] in [0] : vector<16xf32>, vector<16xi32> -> vector<16xf32>
        %get3A_462 = arith.index_cast %add3A_331 : i32 to index
        %get3A_463 = arith.constant 112 : index
        %get3A_464 = tpu.vector_load %arg16[%get3A_462, %get3A_463] {strides = array<i32>} : memref<50x128xf32, #tpu.memory_space<vmem>>, vector<1x16xf32>,
        %get3A_465 = vector.shape_cast %get3A_464 : vector<1x16xf32> to vector<16xf32>
        %mul3A_466 = arith.mulf %get3A_465, %gather3A_461 : vector<16xf32>
        %swap3A_467 = arith.index_cast %add3A_331 : i32 to index
        %swap3A_468 = arith.constant 112 : index
        %swap3A_469 = tpu.vector_load %arg18[%swap3A_467, %swap3A_468] {strides = array<i32>} : memref<50x144xf32, #tpu.memory_space<vmem>>, vector<1x16xf32>,
        %swap3A_470 = vector.shape_cast %swap3A_469 : vector<1x16xf32> to vector<16xf32>
        %swap3A_471 = vector.shape_cast %mul3A_466 : vector<16xf32> to vector<1x16xf32>
        tpu.vector_store %arg18[%swap3A_467, %swap3A_468], %swap3A_471 {strides = array<i32>} : memref<50x144xf32, #tpu.memory_space<vmem>>, vector<1x16xf32>,
      }
      %scan3A_319 = arith.constant 50 : i32
      %dma_start3A_320 = arith.constant 1 : i32
      %dma_start3A_321 = arith.constant 0 : i32
      %dma_start3A_322 = tpu.memref_slice %arg10[%dma_start3A_320, %dma_start3A_321] : memref<2x50xi32, #tpu.memory_space<vmem>> -> memref<1x50xi32, #tpu.memory_space<vmem>>
      %dma_start3A_323 = tpu.memref_squeeze %dma_start3A_322 : memref<1x50xi32, #tpu.memory_space<vmem>> -> memref<50xi32, #tpu.memory_space<vmem>>
      %dma_start3A_324 = arith.constant 0 : i32
      %dma_start3A_325 = arith.constant 0 : i32
      %dma_start3A_326 = tpu.memref_slice %arg19[%dma_start3A_324, %dma_start3A_325] : memref<10240x144xf32, #tpu.memory_space<vmem_shared>> -> memref<10240x144xf32, #tpu.memory_space<vmem_shared>>
      tpu.enqueue_indirect_dma source(%arg18 : memref<50x144xf32, #tpu.memory_space<vmem>>) target(%dma_start3A_326 : memref<10240x144xf32, #tpu.memory_space<vmem_shared>>) offsets(%dma_start3A_323 : memref<50xi32, #tpu.memory_space<vmem>>) semaphore(%arg23 : memref<!tpu.dma_semaphore, #tpu.memory_space<semaphore_mem>>) {add = true}
    }
    %scan3A_34 = arith.constant 50 : i32
    %dma_wait3A = arith.constant 1 : i32
    %dma_wait3A_35 = arith.constant 0 : i32
    %dma_wait3A_36 = tpu.memref_slice %arg9[%dma_wait3A, %dma_wait3A_35] : memref<2x50xi32, #tpu.memory_space<vmem>> -> memref<1x50xi32, #tpu.memory_space<vmem>>
    %dma_wait3A_37 = tpu.memref_squeeze %dma_wait3A_36 : memref<1x50xi32, #tpu.memory_space<vmem>> -> memref<50xi32, #tpu.memory_space<vmem>>
    %dma_wait3A_38 = arith.constant 0 : i32
    %dma_wait3A_39 = arith.constant 0 : i32
    %dma_wait3A_40 = tpu.memref_slice %arg19[%dma_wait3A_38, %dma_wait3A_39] : memref<10240x144xf32, #tpu.memory_space<vmem_shared>> -> memref<10240x144xf32, #tpu.memory_space<vmem_shared>>
    tpu.wait_indirect_dma semaphore(%arg22 : memref<!tpu.dma_semaphore, #tpu.memory_space<semaphore_mem>>) src(%arg17 : memref<50x144xf32, #tpu.memory_space<vmem>>) dst(%dma_wait3A_40 : memref<10240x144xf32, #tpu.memory_space<vmem_shared>>)
    %dma_wait3A_41 = arith.constant 1 : i32
    %dma_wait3A_42 = arith.constant 0 : i32
    %dma_wait3A_43 = tpu.memref_slice %arg10[%dma_wait3A_41, %dma_wait3A_42] : memref<2x50xi32, #tpu.memory_space<vmem>> -> memref<1x50xi32, #tpu.memory_space<vmem>>
    %dma_wait3A_44 = tpu.memref_squeeze %dma_wait3A_43 : memref<1x50xi32, #tpu.memory_space<vmem>> -> memref<50xi32, #tpu.memory_space<vmem>>
    %dma_wait3A_45 = arith.constant 0 : i32
    %dma_wait3A_46 = arith.constant 0 : i32
    %dma_wait3A_47 = tpu.memref_slice %arg19[%dma_wait3A_45, %dma_wait3A_46] : memref<10240x144xf32, #tpu.memory_space<vmem_shared>> -> memref<10240x144xf32, #tpu.memory_space<vmem_shared>>
    tpu.wait_indirect_dma semaphore(%arg23 : memref<!tpu.dma_semaphore, #tpu.memory_space<semaphore_mem>>) src(%arg18 : memref<50x144xf32, #tpu.memory_space<vmem>>) dst(%dma_wait3A_47 : memref<10240x144xf32, #tpu.memory_space<vmem_shared>>)
    %barrier3A_48 = arith.constant 0 : index
    tpu.barrier barrier_id(%barrier3A_48)
    %mul3A_49 = arith.constant 640 : i32
    %mul3A_50 = arith.muli %arg1, %mul3A_49 : i32
    %mul3A_51 = arith.constant 640 : i32
    %mul3A_52 = arith.muli %arg1, %mul3A_51 : i32
    "tpu.region"() ({
      %run_scoped3A_53 = tpu.sem_alloc : memref<!tpu.dma_semaphore, #tpu.memory_space<semaphore_mem>>
      %dma_start3A_54 = arith.constant 0 : i32
      %dma_start3A_55 = tpu.memref_slice %arg6[%arg0, %mul3A_52, %dma_start3A_54] : memref<2x10240x144xf32, #tpu.memory_space<hbm>> -> memref<1x640x144xf32, #tpu.memory_space<hbm>>
      %dma_start3A_56 = tpu.memref_squeeze %dma_start3A_55 : memref<1x640x144xf32, #tpu.memory_space<hbm>> -> memref<640x144xf32, #tpu.memory_space<hbm>>
      %dma_start3A_57 = arith.constant 0 : i32
      %dma_start3A_58 = tpu.memref_slice %arg19[%mul3A_50, %dma_start3A_57] : memref<10240x144xf32, #tpu.memory_space<vmem_shared>> -> memref<640x144xf32, #tpu.memory_space<vmem_shared>>
      tpu.enqueue_dma source(%dma_start3A_58 : memref<640x144xf32, #tpu.memory_space<vmem_shared>>) target(%dma_start3A_56 : memref<640x144xf32, #tpu.memory_space<hbm>>) target_semaphore(%run_scoped3A_53 : memref<!tpu.dma_semaphore, #tpu.memory_space<semaphore_mem>>)
      %dma_wait3A_59 = arith.constant 0 : i32
      %dma_wait3A_60 = tpu.memref_slice %arg6[%arg0, %mul3A_52, %dma_wait3A_59] : memref<2x10240x144xf32, #tpu.memory_space<hbm>> -> memref<1x640x144xf32, #tpu.memory_space<hbm>>
      %dma_wait3A_61 = tpu.memref_squeeze %dma_wait3A_60 : memref<1x640x144xf32, #tpu.memory_space<hbm>> -> memref<640x144xf32, #tpu.memory_space<hbm>>
      %dma_wait3A_62 = arith.constant 0 : i32
      %dma_wait3A_63 = tpu.memref_slice %arg19[%mul3A_50, %dma_wait3A_62] : memref<10240x144xf32, #tpu.memory_space<vmem_shared>> -> memref<640x144xf32, #tpu.memory_space<vmem_shared>>
      tpu.wait_dma2 semaphore(%run_scoped3A_53 : memref<!tpu.dma_semaphore, #tpu.memory_space<semaphore_mem>>) src(%dma_wait3A_63 : memref<640x144xf32, #tpu.memory_space<vmem_shared>>) dst(%dma_wait3A_61 : memref<640x144xf32, #tpu.memory_space<hbm>>)
      tpu.yield
    }) : () -> ()
    return
  }
}

module attributes {stable_mosaic.version = 14 : i64} {
  func.func @_mm_body(%arg0: i32, %arg1: memref<2000x128xf32, #tpu.memory_space<vmem>>, %arg2: memref<128x128xf32, #tpu.memory_space<vmem>>, %arg3: memref<128x16xf32, #tpu.memory_space<vmem>>, %arg4: memref<2000x128xf32, #tpu.memory_space<vmem>>, %arg5: memref<2000x16xf32, #tpu.memory_space<vmem>>) attributes {dimension_semantics = [#tpu.dimension_semantics<arbitrary>], iteration_bounds = array<i64: 5>, scalar_prefetch = 0 : i64, scratch_operands = 0 : i64, tpu.core_type = #tpu.core_type<tc>, window_params = [{transform_indices = @transform_0, window_bounds = array<i64: 2000, 128>}, {pipeline_mode = #tpu.pipeline_mode<synchronous>, transform_indices = @transform_1, window_bounds = array<i64: 128, 128>}, {pipeline_mode = #tpu.pipeline_mode<synchronous>, transform_indices = @transform_2, window_bounds = array<i64: 128, 16>}, {transform_indices = @transform_3, window_bounds = array<i64: 2000, 128>}, {transform_indices = @transform_4, window_bounds = array<i64: 2000, 16>}]} {
    %get3A = arith.constant 0 : index
    %get3A_0 = arith.constant 0 : index
    %get3A_1 = vector.load %arg1[%get3A, %get3A_0] : memref<2000x128xf32, #tpu.memory_space<vmem>>, vector<2000x128xf32>
    %get3A_2 = arith.constant 0 : index
    %get3A_3 = arith.constant 0 : index
    %get3A_4 = vector.load %arg2[%get3A_2, %get3A_3] : memref<128x128xf32, #tpu.memory_space<vmem>>, vector<128x128xf32>
    %dot_general3A = arith.constant dense<0.000000e+00> : vector<2000x128xf32>
    %dot_general3A_5 = tpu.matmul %get3A_1, %get3A_4, %dot_general3A {dimension_numbers = #tpu.dot_dimension_numbers<[1], [0], [0], [1], [0, 0, 1, 1], [], []>, precision = #tpu.contract_precision<fp32>, transpose_lhs_hint = false} : vector<2000x128xf32>, vector<128x128xf32>, vector<2000x128xf32> -> vector<2000x128xf32>
    %swap3A = arith.constant 0 : index
    %swap3A_6 = arith.constant 0 : index
    %swap3A_7 = vector.load %arg4[%swap3A, %swap3A_6] : memref<2000x128xf32, #tpu.memory_space<vmem>>, vector<2000x128xf32>
    tpu.vector_store %arg4[%swap3A, %swap3A_6], %dot_general3A_5 {strides = array<i32>} : memref<2000x128xf32, #tpu.memory_space<vmem>>, vector<2000x128xf32>,
    %get3A_8 = arith.constant 0 : index
    %get3A_9 = arith.constant 0 : index
    %get3A_10 = vector.load %arg3[%get3A_8, %get3A_9] : memref<128x16xf32, #tpu.memory_space<vmem>>, vector<128x16xf32>
    %dot_general3A_11 = arith.constant dense<0.000000e+00> : vector<2000x16xf32>
    %dot_general3A_12 = tpu.matmul %dot_general3A_5, %get3A_10, %dot_general3A_11 {dimension_numbers = #tpu.dot_dimension_numbers<[1], [0], [0], [1], [0, 0, 1, 1], [], []>, precision = #tpu.contract_precision<fp32>, transpose_lhs_hint = false} : vector<2000x128xf32>, vector<128x16xf32>, vector<2000x16xf32> -> vector<2000x16xf32>
    %swap3A_13 = arith.constant 0 : index
    %swap3A_14 = arith.constant 0 : index
    %swap3A_15 = vector.load %arg5[%swap3A_13, %swap3A_14] : memref<2000x16xf32, #tpu.memory_space<vmem>>, vector<2000x16xf32>
    tpu.vector_store %arg5[%swap3A_13, %swap3A_14], %dot_general3A_12 {strides = array<i32>} : memref<2000x16xf32, #tpu.memory_space<vmem>>, vector<2000x16xf32>,
    return
  }
  func.func @transform_0(%arg0: i32) -> (i32, i32) {
    %c0_i32 = arith.constant 0 : i32
    %c0_i32_0 = arith.constant 0 : i32
    return %arg0, %c0_i32 : i32, i32
  }
  func.func @transform_1(%arg0: i32) -> (i32, i32) {
    %c0_i32 = arith.constant 0 : i32
    %c0_i32_0 = arith.constant 0 : i32
    %c0_i32_1 = arith.constant 0 : i32
    return %c0_i32, %c0_i32_0 : i32, i32
  }
  func.func @transform_2(%arg0: i32) -> (i32, i32) {
    %c0_i32 = arith.constant 0 : i32
    %c0_i32_0 = arith.constant 0 : i32
    %c0_i32_1 = arith.constant 0 : i32
    return %c0_i32, %c0_i32_0 : i32, i32
  }
  func.func @transform_3(%arg0: i32) -> (i32, i32) {
    %c0_i32 = arith.constant 0 : i32
    %c0_i32_0 = arith.constant 0 : i32
    return %arg0, %c0_i32 : i32, i32
  }
  func.func @transform_4(%arg0: i32) -> (i32, i32) {
    %c0_i32 = arith.constant 0 : i32
    %c0_i32_0 = arith.constant 0 : i32
    return %arg0, %c0_i32 : i32, i32
  }
}

module attributes {stable_mosaic.version = 14 : i64} {
  func.func @_combine_body(%arg0: i32, %arg1: memref<2x1024x144xf32, #tpu.memory_space<vmem>>, %arg2: memref<144x128xf32, #tpu.memory_space<vmem>>, %arg3: memref<1024x128xf32, #tpu.memory_space<vmem>>) attributes {dimension_semantics = [#tpu.dimension_semantics<arbitrary>], iteration_bounds = array<i64: 10>, scalar_prefetch = 0 : i64, scratch_operands = 0 : i64, tpu.core_type = #tpu.core_type<tc>, window_params = [{transform_indices = @transform_0, window_bounds = array<i64: 2, 1024, 144>}, {pipeline_mode = #tpu.pipeline_mode<synchronous>, transform_indices = @transform_1, window_bounds = array<i64: 144, 128>}, {transform_indices = @transform_2, window_bounds = array<i64: 1024, 128>}]} {
    %get3A = arith.constant 0 : index
    %get3A_0 = arith.constant 0 : index
    %get3A_1 = arith.constant 0 : index
    %get3A_2 = vector.load %arg1[%get3A, %get3A_0, %get3A_1] : memref<2x1024x144xf32, #tpu.memory_space<vmem>>, vector<1x1024x144xf32>
    %get3A_3 = vector.shape_cast %get3A_2 : vector<1x1024x144xf32> to vector<1024x144xf32>
    %get3A_4 = arith.constant 1 : index
    %get3A_5 = arith.constant 0 : index
    %get3A_6 = arith.constant 0 : index
    %get3A_7 = vector.load %arg1[%get3A_4, %get3A_5, %get3A_6] : memref<2x1024x144xf32, #tpu.memory_space<vmem>>, vector<1x1024x144xf32>
    %get3A_8 = vector.shape_cast %get3A_7 : vector<1x1024x144xf32> to vector<1024x144xf32>
    %add3A = arith.addf %get3A_3, %get3A_8 : vector<1024x144xf32>
    %slice3A = vector.extract_strided_slice %add3A {offsets = [0, 0], sizes = [1024, 128], strides = [1, 1]} : vector<1024x144xf32> to vector<1024x128xf32>
    %get3A_9 = arith.constant 0 : index
    %get3A_10 = arith.constant 0 : index
    %get3A_11 = vector.load %arg2[%get3A_9, %get3A_10] : memref<144x128xf32, #tpu.memory_space<vmem>>, vector<144x128xf32>
    %dot_general3A = arith.constant dense<0.000000e+00> : vector<1024x128xf32>
    %dot_general3A_12 = tpu.matmul %add3A, %get3A_11, %dot_general3A {dimension_numbers = #tpu.dot_dimension_numbers<[1], [0], [0], [1], [0, 0, 1, 1], [], []>, precision = #tpu.contract_precision<fp32>, transpose_lhs_hint = false} : vector<1024x144xf32>, vector<144x128xf32>, vector<1024x128xf32> -> vector<1024x128xf32>
    %add3A_13 = arith.constant 9.99999971E-10 : f32
    %add3A_14 = vector.broadcast %add3A_13 : f32 to vector<1024x128xf32>
    %add3A_15 = arith.addf %dot_general3A_12, %add3A_14 : vector<1024x128xf32>
    %div3A = arith.divf %slice3A, %add3A_15 : vector<1024x128xf32>
    %swap3A = arith.constant 0 : index
    %swap3A_16 = arith.constant 0 : index
    %swap3A_17 = vector.load %arg3[%swap3A, %swap3A_16] : memref<1024x128xf32, #tpu.memory_space<vmem>>, vector<1024x128xf32>
    tpu.vector_store %arg3[%swap3A, %swap3A_16], %div3A {strides = array<i32>} : memref<1024x128xf32, #tpu.memory_space<vmem>>, vector<1024x128xf32>,
    return
  }
  func.func @transform_0(%arg0: i32) -> (i32, i32, i32) {
    %c0_i32 = arith.constant 0 : i32
    %c0_i32_0 = arith.constant 0 : i32
    %c0_i32_1 = arith.constant 0 : i32
    return %c0_i32, %arg0, %c0_i32_0 : i32, i32, i32
  }
  func.func @transform_1(%arg0: i32) -> (i32, i32) {
    %c0_i32 = arith.constant 0 : i32
    %c0_i32_0 = arith.constant 0 : i32
    %c0_i32_1 = arith.constant 0 : i32
    return %c0_i32, %c0_i32_0 : i32, i32
  }
  func.func @transform_2(%arg0: i32) -> (i32, i32) {
    %c0_i32 = arith.constant 0 : i32
    %c0_i32_0 = arith.constant 0 : i32
    return %arg0, %c0_i32 : i32, i32
  }
}

</mosaic_0001>

<sc_bundles>
// kernel: kernel.5.cloned.1.call-start
scs
__scs_entry_jumppad:
0x0: {  	(pc) =	sbr.rel $0x88, $3  }
0x1: {  	(tag) =	ssettag $0x0;
	lr =	simm.s32 $0x1  }
0x2: {  	[smem:$0x3F9C] =	sst lr;
	_ =	strace $0xD0000000  }
0x3: {  	_ = 	snop  }
0x4: {  	_ = 	snop  }
0x5: {  	_ = 	snop  }
0x6: {  	_ = 	snop  }
0x7: {  	_ = 	snop  }
__scs_overlays_trampoline_lowered:
0x8: {  	[smem:$0x3FAB] =	sst s0  }
0x9: {  	[smem:$0x3FAC] =	sst s1  }
0xa: {  	[smem:$0x3FAD] =	sst s2  }
0xb: {  	[smem:$0x3FAE] =	sst s3  }
0xc: {  	[smem:$0x3FAF] =	sst s4  }
0xd: {  	[smem:$0x3FB0] =	sst s5  }
0xe: {  	[smem:$0x3FB1] =	sst s6  }
0xf: {  	[smem:$0x3FB2] =	sst s7  }
0x10: {  	[smem:$0x3FB3] =	sst s8  }
0x11: {  	[smem:$0x3FB4] =	sst s9;
	s0 =	simm.s32 @!p0 $0x0  }
0x12: {  	s1 =	sld [smem:$0x3F9A];
	s0 =	simm.s32 @p0 $0x1  }
0x13: {  	[smem:$0x3FB5] =	sst s0;
	s0 =	simm.s32 @!p1 $0x0  }
0x14: {  	s2 =	sld [smem:$0x3F99];
	s0 =	simm.s32 @p1 $0x1  }
0x15: {  	[smem:$0x3FB6] =	sst s0;
	s0 =	simm.s32 @!p2 $0x0  }
0x16: {  	s3 =	sld [smem:$0x3FDB];
	s0 =	simm.s32 @p2 $0x1  }
0x17: {  	s4 =	simm.s32 $0x1BF5;
	[smem:$0x3FB8] =	sst s0  }
0x18: {  	s0 =	sld [smem:$0x3F9B];
	_ =	swait.ge [sflag:s4], $0x0  }
0x19: {  	s7 =	sld [smem:$0x3F9C]  }
0x1a: {  	s8 =	sadd.s32 $0xFFFFE003, lr  }
0x1b: {  	s9 =	sadd.s32 $0xFFFFFEF7, lr;
	s5 =	simm.s32 $0xFFFFFFFF;
	p2 =	slt.u32 s8, $0xFFFFF086  }
0x1c: {  	p1 =	slt.u32 s9, $0xF7A;
	s5 =	simm.s32 @!p2 $0x0  }
0x1d: {  	s5 =	simm.s32 @p1 $0x1;
	p0 =	seq.s32 s7, s2  }
0x1e: {  	s7 =	smul.u32 @!p0 $0xF7A, s2;
	p2 =	seq.s32 @!p0 s5, $0x0  }
0x1f: {  	s9 =	smul.u32 $0xF7A, s1;
	s8 =	simm.s32 @!p0 $0x1BF5;
	p2 =	por !p2, p0  }
0x20: {  	[sflag:s8] =	ssyncset.s32 @!p0 $0xFFFFF086;
	s6 =	sadd.s32 @!p0 s3, s7;
	s7 =	simm.s32 @!p0 $0x108  }
0x21: {  	s3 =	sadd.s32 s3, s9;
	s6 =	sadd.s32 @!p0 $0x88, s6;
	s7 =	simm.s32 @p2 $0x1082  }
0x22: {  	[simem:s7], [sflag:s8] =	dma.local @!p0 [hbm:s6], $0xF7A  }
0x23: {  	s9 =	sor.u32 $0xD0000000, s2;
	s6 =	simm.s32 $0x108;
	_ =	swait.ge @!p0 [sflag:s8], $0x0  }
0x24: {  	s3 =	sadd.s32 $0x88, s3;
	s6 =	simm.s32 @!p1 $0x1082;
	[sflag:s4] =	ssyncset.s32 $0xFFFFF086  }
0x25: {  	[simem:s6], [sflag:s4] =	dma.local [hbm:s3], $0xF7A  }
0x26: {  	[smem:$0x3F9C] =	sst s1;
	(tag) =	ssettag s2;
	_ =	strace s9  }
0x27: {  	s1 =	sld [smem:$0x3FAC]  }
0x28: {  	s2 =	sld [smem:$0x3FAD]  }
0x29: {  	s4 =	sld [smem:$0x3FAF]  }
0x2a: {  	p0 =	seq.s32 s5, $0x0;
	s5 =	sld [smem:$0x3FB0]  }
0x2b: {  	s6 =	sld [smem:$0x3FB1]  }
0x2c: {  	s7 =	sld [smem:$0x3FB2]  }
0x2d: {  	s3 =	simm.s32 $0x108;
	s8 =	sld [smem:$0x3FB3]  }
0x2e: {  	s3 =	simm.s32 @!p0 $0x1082;
	s9 =	sld [smem:$0x3FB4]  }
0x2f: {  	lr =	sadd.s32 s0, s3;
	s0 =	sld [smem:$0x3FAB]  }
0x30: {  	s3 =	sld [smem:$0x3FAE]  }
0x31: {  	[smem:$0x3FB7] =	sst s10  }
0x32: {  	s10 =	sld [smem:$0x3FB5];
	_ =	sdelay $0x3  }
0x33: {  	p0 =	seq.s32 s10, $0x1;
	s10 =	sld [smem:$0x3FB7];
	_ =	sdelay $0x3  }
0x34: {  	[smem:$0x3FB7] =	sst s10  }
0x35: {  	s10 =	sld [smem:$0x3FB6];
	_ =	sdelay $0x3  }
0x36: {  	p1 =	seq.s32 s10, $0x1;
	s10 =	sld [smem:$0x3FB7];
	_ =	sdelay $0x3  }
0x37: {  	[smem:$0x3FB7] =	sst s10  }
0x38: {  	s10 =	sld [smem:$0x3FB8]  }
0x39: {  	_ = 	snop;
	(pc) =	sbr.ind lr, $3  }
0x3a: {  	_ = 	snop  }
0x3b: {  	_ = 	snop  }
0x3c: {  	p2 =	seq.s32 s10, $0x1;
	s10 =	sld [smem:$0x3FB7]  }
0x3d: {  	_ =	shalt  }
0x3e: {  	_ =	shalt  }
0x3f: {  	_ =	shalt  }
0x40: {  	_ =	shalt  }
0x41: {  	_ =	shalt  }
0x42: {  	_ =	shalt  }
0x43: {  	_ =	shalt  }
0x44: {  	_ =	shalt  }
0x45: {  	_ =	shalt  }
0x46: {  	_ =	shalt  }
0x47: {  	_ =	shalt  }
0x48: {  	_ =	shalt  }
0x49: {  	_ =	shalt  }
0x4a: {  	_ =	shalt  }
0x4b: {  	_ =	shalt  }
0x4c: {  	_ =	shalt  }
0x4d: {  	_ =	shalt  }
0x4e: {  	_ =	shalt  }
0x4f: {  	_ =	shalt  }
0x50: {  	_ =	shalt  }
0x51: {  	_ =	shalt  }
0x52: {  	_ =	shalt  }
0x53: {  	_ =	shalt  }
0x54: {  	_ =	shalt  }
0x55: {  	_ =	shalt  }
0x56: {  	_ =	shalt  }
0x57: {  	_ =	shalt  }
0x58: {  	_ =	shalt  }
0x59: {  	_ =	shalt  }
0x5a: {  	_ =	shalt  }
0x5b: {  	_ =	shalt  }
0x5c: {  	_ =	shalt  }
0x5d: {  	_ =	shalt  }
0x5e: {  	_ =	shalt  }
0x5f: {  	_ =	shalt  }
0x60: {  	_ =	shalt  }
0x61: {  	_ =	shalt  }
0x62: {  	_ =	shalt  }
0x63: {  	_ =	shalt  }
0x64: {  	_ =	shalt  }
0x65: {  	_ =	shalt  }
0x66: {  	_ =	shalt  }
0x67: {  	_ =	shalt  }
0x68: {  	_ =	shalt  }
0x69: {  	_ =	shalt  }
0x6a: {  	_ =	shalt  }
0x6b: {  	_ =	shalt  }
0x6c: {  	_ =	shalt  }
0x6d: {  	_ =	shalt  }
0x6e: {  	_ =	shalt  }
0x6f: {  	_ =	shalt  }
0x70: {  	_ =	shalt  }
0x71: {  	_ =	shalt  }
0x72: {  	_ =	shalt  }
0x73: {  	_ =	shalt  }
0x74: {  	_ =	shalt  }
0x75: {  	_ =	shalt  }
0x76: {  	_ =	shalt  }
0x77: {  	_ =	shalt  }
0x78: {  	_ =	shalt  }
0x79: {  	_ =	shalt  }
0x7a: {  	_ =	shalt  }
0x7b: {  	_ =	shalt  }
0x7c: {  	_ =	shalt  }
0x7d: {  	_ =	shalt  }
0x7e: {  	_ =	shalt  }
0x7f: {  	_ =	shalt  }
0x80: {  	_ =	shalt  }
0x81: {  	_ =	shalt  }
0x82: {  	_ =	shalt  }
0x83: {  	_ =	shalt  }
0x84: {  	_ =	shalt  }
0x85: {  	_ =	shalt  }
0x86: {  	_ =	shalt  }
0x87: {  	_ =	shalt  }
.Lfunc_end0:
.L_simem_size_0:
called_computation_lowered:
.L_overlay_start_0:
0x88: {  	s2 =	sld [smem:$0x3FD9]  }
0x89: {  	s3 =	sld [smem:$0x3FFE];
	_ =	sdelay $0x1  }
0x8a: {  	s1 =	srdreg.scid  }
0x8b: {  	s0 =	sand.u32 $0x1, s1  }
0x8c: {  	s17 =	sshll.u32 s0, $0xA;
	s2 =	sadd.s32 s3, s2  }
0x8d: {  	s2 =	sadd.s32 s2, s17  }
0x8e: {  	[smem:$0x3FC3] =	sst s2  }
0x8f: {  	_ = 	snop  }
0x90: {  	s2 =	sld [smem:$0x3FD0];
	(tm) =	ssettm $0x1  }
0x91: {  	s18 =	sld [smem:$0x3FFB];
	_ =	sdelay $0x3  }
0x92: {  	_ =	strace s18  }
0x93: {  	s3 =	sld [smem:$0x3FFC];
	_ =	sdelay $0x3  }
0x94: {  	_ =	strace s3  }
0x95: {  	s3 =	sld [smem:$0x3FFD];
	_ =	sdelay $0x3  }
0x96: {  	_ =	strace s3  }
0x97: {  	_ =	strace $0x8FFFFFFF  }
0x98: {  	s19 =	sld [smem:$0x3FDB];
	_ =	sdelay $0x1  }
0x99: {  	s4 =	simm.s32 $_scs_section_size  }
0x9a: {  	s5 =	simm.s32 $_size__tile_overlayer_lowered;
	s6 =	simm.s32 $_tile_overlayer_lowered  }
0x9b: {  	s22 =	simm.s32 $0x1BFF;
	s21 =	sshll.u32 s6, $0x1;
	s3 =	sadd.s32 s4, s19  }
0x9c: {  	s7 =	simm.s32 $0x0;
	s20 =	sshll.u32 s5, $0x1;
	s5 =	sadd.s32 s21, s3  }
0x9d: {  	[timem:s7], [sflag:s22] =	dma.local [hbm:s5], s20  }
0x9e: {  	_ =	swait.ge [sflag:s22], s20  }
0x9f: {  	s4 =	ssub.s32 $0x0, s20;
	[sflag:s22] =	ssyncset.done $0x0  }
0xa0: {  	[sflag:s22] =	ssyncadd.s32 s4;
	_ =	sdelay $0x1  }
0xa1: {  	s23 =	simm.s32 $0x1B8B  }
0xa2: {  	_ =	swait.ge [sflag:s23], $0x1  }
0xa3: {  	[sflag:s23] =	ssyncset.done $0x0  }
0xa4: {  	s25 =	simm.s32 $0x1B8E;
	s24 =	sld [smem:$0x3FFE];
	[sflag:s23] =	ssyncadd.s32 $0xFFFFFFFF  }
0xa5: {  	s26 =	simm.s32 $execute0_lowered;
	[smem:$0x3FD2] =	sst s25  }
0xa6: {  	s5 =	sshll.u32 s26, $0x1;
	_ =	strace $0x80000046;
	[dreg:$0x1] =	wrdreg $0xFFFFFFFF  }
0xa7: {  	s28 =	simm.s32 $_size_execute0_lowered;
	s3 =	sadd.s32 s3, s5;
	[dreg:$0x0] =	wrdreg $0x0  }
0xa8: {  	s5 =	sshll.u32 s28, $0x1;
	[dreg:$0x2] =	wrdreg s3  }
0xa9: {  	[dreg:$0x3] =	wrdreg s5  }
0xaa: {  	[dreg:$0x4] =	wrdreg $0xC0  }
0xab: {  	_ =	task [dreg:s7], $0x5FFFF  }
0xac: {  	[dreg:$0x1] =	wrdreg $0xFFFFFFFF  }
0xad: {  	[dreg:$0x0] =	wrdreg $0x60  }
0xae: {  	[dreg:$0x2] =	wrdreg s2  }
0xaf: {  	[dreg:$0x3] =	wrdreg s24  }
0xb0: {  	[dreg:$0x4] =	wrdreg $0x78800  }
0xb1: {  	[dreg:$0x5] =	wrdreg $0x9  }
0xb2: {  	_ =	task.clear_ibuf [dreg:s7], $0x6FFFF;
	_ =	strace $0x90000046  }
0xb3: {  	s29 =	simm.s32 $0x9;
	_ =	strace $0x80000048  }
0xb4: {  	_ =	swait.ge [sflag:s29], $0x1  }
0xb5: {  	[sflag:s29] =	ssyncadd.s32 $0xFFFFFFFF  }
0xb6: {  	_ =	strace $0x90000048  }
0xb7: {  	_ =	sfence  }
0xb8: {  	s30 =	sld [smem:$0x0];
	_ =	sdelay $0x2  }
0xb9: {  	s31 =	sshll.u32 s1, $0xD;
	s1 =	sshrl.u32 s1, $0x2  }
0xba: {  	s3 =	sand.u32 $0x4000, s31;
	s1 =	sadd.s32 s1, s30  }
0xbb: {  	s0 =	sor.u32 s3, s0;
	s1 =	sshll.u32 s1, $0x11  }
0xbc: {  	s0 =	sor.u32 s1, s0  }
0xbd: {  	s0 =	sadd.s32 $0x8F2B, s0  }
0xbe: {  	[sflag:s0] =	ssyncadd.remote.s32 $0x1  }
0xbf: {  	_ =	sfence.sel $0xFFFF  }
0xc0: {  	[dreg:$0x0] =	wrdreg $0xFFFFFFFF;
	(pc) =	sbr.abs _section_cstart, $3  }
0xc1: {  	[dreg:$0x1] =	wrdreg $0xFFFFFFFF  }
0xc2: {  	_ =	task.clear_ibuf [dreg:s7], $0x2FFFF;
	_ =	strace $0x9FFFFFFF  }
0xc3: {  	(tm) =	ssettm $0x7FFFFFFF  }
tec
execute0_lowered:
.L_overlay_start_1:
0x0: {  	(tag) =	ssettag $0x1  }
0x1: {  	s1 =	rddreg [dreg:$0x0]  }
0x2: {  	s0 =	rddreg [dreg:$0x1]  }
0x3: {  	s3 =	rddreg [dreg:$0x2]  }
0x4: {  	s2 =	srdreg.scid;
	s10 =	stileid.u32  }
0x5: {  	s5 =	simm.s32 $0x0;
	s19 =	simm.s32 $0x70;
	s20 =	simm.s32 $0x32  }
0x6: {  	s28 =	simm.s32 $0xA8;
	s29 =	simm.s32 $0xB20;
	s30 =	simm.s32 $0x2740  }
0x7: {  	s31 =	simm.s32 $0x1;
	s15 =	simm.s32 $0x2;
	s16 =	simm.s32 $0x5C60  }
0x8: {  	s17 =	simm.s32 $0x4;
	s2 =	sand.u32 $0x1, s2;
	s4 =	smul.u32 $0x16800, s10  }
0x9: {  	[smem:$0x7FF] =	sst s5;
	s6 =	sshll.u32 s10, $0x1;
	s5 =	sadd.s32 $0xE00, s0  }
0xa: {  	s9 =	sadd.s32 $0x1BC00, s0;
	s24 =	sshll.u32 s10, $0x6;
	s10 =	simm.s32 $0x118  }
0xb: {  	s7 =	smul.u32 $0x168000, s2;
	_ =	strace $0x80000047;
	s8 =	sor.u32 s2, s6  }
0xc: {  	s6 =	sadd.s32 $0x5E00, s0;
	[dreg:$0x4] =	wrdreg s9;
	s2 =	ssub.s32 $0x2, s2  }
0xd: {  	s18 =	sor.u32 $0x1C06, s24;
	s8 =	smul.u32 $0x5780, s8;
	s22 =	sshrl.u32 s2, $0x1  }
0xe: {  	[dreg:$0x6] =	wrdreg s18;
	s7 =	sadd.s32 s4, s7;
	s2 =	ssub.s32 s2, s22  }
0xf: {  	s4 =	sadd.s32 s4, s3;
	s22 =	simm.s32 $0x6;
	s7 =	sshrl.u32 s7, $0x3  }
0x10: {  	s23 =	sshrl.u32 s8, $0x3;
	s11 =	sadd.s32 $0xE0, s8;
	s12 =	sadd.s32 $0x150, s8  }
0x11: {  	v0 =	vimm.s32 $0xFEDCBA98;
	s13 =	sadd.s32 $0x1C0, s8;
	s14 =	sadd.s32 $0x230, s8;
	s26 =	smax.u32 s2, $0x1  }
0x12: {  	v1 =	vimm.s32 $0x76543210;
	v0 =	vunpack.c.l.s4.s8 v0;
	s21 =	sshrl.u32 s4, $0x3;
	s2 =	simm.s32 $0x150;
	s8 =	simm.s32 $0x3  }
0x13: {  	vm0 =	vmmov $0xff;
	v1 =	vunpack.c.l.s4.s8 v1;
	s0 =	sadd.s32 s7, s0;
	s9 =	sadd.s32 s6, s23;
	[dreg:$0x9] =	wrdreg s26  }
0x14: {  	v2 =	vimm.s32 $0x1;
	v3 =	vimm.s32 $0x2;
	v0 =	vunpack.c.0.s8.s32 v0;
	s26 =	simm.s32 $0x4E0;
	s7 =	simm.s32 $0x5;
	[dreg:$0xa] =	wrdreg s21  }
0x15: {  	v4 =	vimm.s32 $0x3;
	v5 =	vimm.s32 $0x4;
	v1 =	vunpack.c.0.s8.s32 v1;
	s23 =	simm.s32 $0x0;
	[dreg:$0x5] =	wrdreg s9;
	s25 =	sadd.s32 $0xE, s9  }
0x16: {  	v6 =	vimm.s32 $0x5;
	v7 =	vimm.s32 $0x6;
	v0 =	vand.u32 $0xF, v0;
	s0 =	sadd.s32 $0x1EA00, s0;
	s9 =	simm.s32 $0x188;
	[dreg:$0x7] =	wrdreg s25  }
0x17: {  	v8 =	vimm.s32 $0x7;
	v0 =	vcombine.low v0, v1;
	v1 =	vimm.s32 $0x0;
	[dreg:$0x8] =	wrdreg s0;
	s25 =	simm.s32 $0xE0;
	s0 =	simm.s32 $0x4040  }
.LBB2_1:
0x18: {  	[dreg:$0xb] =	wrdreg s23  }
0x19: {  	s4 =	rddreg [dreg:$0x4]  }
0x1a: {  	[spmem:s21], [sflag:s18] =	dma.local [hbm:s4], $0x2D00  }
0x1b: {  	_ =	swait.ge [sflag:s22], $0x2D00  }
0x1c: {  	[sflag:s22] =	ssyncset.done $0x0  }
0x1d: {  	s4 =	simm.s32 $0x0;
	s23 =	rddreg [dreg:$0x5];
	[sflag:s22] =	ssyncadd.s32 $0xFFFFD300  }
0x1e: {  	[tilespmem:s4], [sflag:$0x6] =	stream.linear.gather [hbm4b:s23+s4], $0x70, $0x38;
	[tilespmem:$0x1E080] =	vst v63  }
0x1f: {  	_ =	swait.ge [sflag:s22], $0x70  }
0x20: {  	[sflag:s22] =	ssyncset.done $0x0  }
0x21: {  	s24 =	rddreg [dreg:$0x7];
	[sflag:s22] =	ssyncadd.s32 $0xFFFFFF90  }
0x22: {  	[tilespmem:s19], [sflag:$0x6] =	stream.linear.gather [hbm4b:s24+s4], $0x70, $0x38;
	[tilespmem:$0x1E080] =	vst v63  }
0x23: {  	_ =	swait.ge [sflag:s22], $0x70  }
0x24: {  	[sflag:s22] =	ssyncset.done $0x0  }
0x25: {  	[sflag:s22] =	ssyncadd.s32 $0xFFFFFF90  }
0x26: {  	s21 =	simm.s32 $0x1C0;
	[bflag:$0x0] =	sbarrier.arrive $0xFFFF  }
0x27: {  	[tilespmem:s21], [sflag:$0x1] =	stream.indirect.gather [hbm4b:s5+s20], $0x10, s4, s20, $0xb8;
	[tilespmem:$0x1E080] =	vst v63  }
0x28: {  	s23 =	simm.s32 $0x800;
	s22 =	simm.s32 $0x38  }
0x29: {  	[tilespmem:s23], [sflag:$0x1] =	stream.indirect.gather [hbm4b:s5+s20], $0x10, s22, s20, $0xb8;
	[tilespmem:$0x1E080] =	vst v63  }
0x2a: {  	s18 =	simm.s32 $0x0;
	s24 =	simm.s32 $0xE40  }
0x2b: {  	[tilespmem:s24], [sflag:$0x1] =	stream.indirect.gather [hbm4b:s1+s20], $0x80, s4, s20, $0xb8;
	[tilespmem:$0x1E080] =	vst v63  }
.LBB2_2:
0x2c: {  	p0 =	seq.s32 s18, $0x0;
	s21 =	smul.u32 $0x1C0, s18  }
0x2d: {  	s4 =	simm.s32 @!p0 $0x3  }
0x2e: {  	_ =	swait.ge @!p0 [sflag:s4], $0x1C20;
	s22 =	sadd.s32 s21, s11  }
0x2f: {  	s23 =	simm.s32 $0x0;
	[sflag:s4] =	ssyncset.done @!p0 $0x0;
	s22 =	sshrl.u32 s22, $0x3  }
0x30: {  	[sflag:s4] =	ssyncadd.s32 @!p0 $0xFFFFE3E0;
	s22 =	sadd.s32 s6, s22;
	s4 =	simm.s32 @!p0 $0x5  }
0x31: {  	[tilespmem:s25], [sflag:$0x5] =	stream.linear.gather [hbm4b:s22+s23], $0x70, $0x38;
	[tilespmem:$0x1E080] =	vst v63  }
0x32: {  	_ =	swait.ge @!p0 [sflag:s4], $0x70  }
0x33: {  	[sflag:s4] =	ssyncset.done @!p0 $0x0  }
0x34: {  	[sflag:s4] =	ssyncadd.s32 @!p0 $0xFFFFFF90  }
0x35: {  	[tilespmem:s26], [sflag:$0x2] =	stream.indirect.gather [hbm4b:s5+s20], $0x10, s19, s20, $0xb8;
	[tilespmem:$0x1E080] =	vst v63  }
0x36: {  	_ = 	snop  }
0x37: {  	[tilespmem:s29], [sflag:$0x2] =	stream.indirect.gather [hbm4b:s5+s20], $0x10, s28, s20, $0xb8;
	[tilespmem:$0x1E080] =	vst v63  }
0x38: {  	_ = 	snop  }
0x39: {  	[tilespmem:s30], [sflag:$0x2] =	stream.indirect.gather [hbm4b:s1+s20], $0x80, s19, s20, $0xb8;
	[tilespmem:$0x1E080] =	vst v63  }
0x3a: {  	_ =	swait.ge [sflag:s31], $0x320  }
0x3b: {  	[sflag:s31] =	ssyncset.done $0x0  }
0x3c: {  	[sflag:s31] =	ssyncadd.s32 $0xFFFFFCE0  }
0x3d: {  	_ =	swait.ge [sflag:s31], $0x320  }
0x3e: {  	[sflag:s31] =	ssyncset.done $0x0  }
0x3f: {  	[sflag:s31] =	ssyncadd.s32 $0xFFFFFCE0  }
0x40: {  	_ =	swait.ge [sflag:s31], $0x1900  }
0x41: {  	[sflag:s31] =	ssyncset.done $0x0  }
0x42: {  	s24 =	simm.s32 $0x0;
	[sflag:s31] =	ssyncadd.s32 $0xFFFFE700  }
0x43: {  	v9 =	vld [tilespmem:s24+$0x800];
	_ =	sdelay $0x1  }
0x44: {  	v10 =	vld [tilespmem:s24+$0x1C0];
	_ =	sdelay $0x2  }
0x45: {  	v9 =	vperm.xlane v9, v0;
	_ =	sdelay $0x1  }
0x46: {  	v9 =	vadd.f32 v9, v10;
	_ =	sdelay $0x1  }
0x47: {  	v10 =	vmul.f32 $2.000000030e-01, v9  }
0x48: {  	vm1 =	vgt.f32 v9, $0.0e+00  }
0x49: {  	v9 =	vsel vm1, v9, v10  }
0x4a: {  	v9 =	vmul.f32 $1.442695020e+00, v9;
	_ =	sdelay $0x1  }
0x4b: {  	(erf) = vpow2.f32 v9;
	_ =	sdelay $0x8  }
0x4c: {  	v9 =	vpop (erf)  }
0x4d: {  	s22 =	simm.s32 $0x4080;
	v9 =	vnsel vm0, $0x0, v9  }
0x4e: {  	s23 =	simm.s32 $0xE80;
	[tilespmem:s22+$0x40] =	vst v9  }
0x4f: {  	v10 =	vld [tilespmem:s23+$0xFFFFFFC0];
	_ =	sdelay $0x2  }
0x50: {  	v11 =	vperm.xlane v9, v1;
	_ =	sdelay $0x1  }
0x51: {  	v10 =	vmul.f32 v10, v11;
	_ =	sdelay $0x1  }
0x52: {  	[tilespmem:s22+$0xFFFFFFC0] =	vst v10  }
0x53: {  	v10 =	vld [tilespmem:s23+$0xFFFFFFD0];
	_ =	sdelay $0x2  }
0x54: {  	v11 =	vperm.xlane v9, v2;
	_ =	sdelay $0x1  }
0x55: {  	v10 =	vmul.f32 v10, v11;
	_ =	sdelay $0x1  }
0x56: {  	[tilespmem:s22+$0xFFFFFFD0] =	vst v10  }
0x57: {  	v10 =	vld [tilespmem:s23+$0xFFFFFFE0];
	_ =	sdelay $0x2  }
0x58: {  	v11 =	vperm.xlane v9, v3;
	_ =	sdelay $0x1  }
0x59: {  	v10 =	vmul.f32 v10, v11;
	_ =	sdelay $0x1  }
0x5a: {  	[tilespmem:s22+$0xFFFFFFE0] =	vst v10  }
0x5b: {  	v10 =	vld [tilespmem:s23+$0xFFFFFFF0];
	_ =	sdelay $0x2  }
0x5c: {  	v11 =	vperm.xlane v9, v4;
	_ =	sdelay $0x1  }
0x5d: {  	v10 =	vmul.f32 v10, v11;
	_ =	sdelay $0x1  }
0x5e: {  	[tilespmem:s22+$0xFFFFFFF0] =	vst v10  }
0x5f: {  	v10 =	vld [tilespmem:s23+$0x0];
	_ =	sdelay $0x2  }
0x60: {  	v11 =	vperm.xlane v9, v5;
	_ =	sdelay $0x1  }
0x61: {  	v10 =	vmul.f32 v10, v11;
	_ =	sdelay $0x1  }
0x62: {  	[tilespmem:s22+$0x0] =	vst v10  }
0x63: {  	v10 =	vld [tilespmem:s23+$0x10];
	_ =	sdelay $0x2  }
0x64: {  	v11 =	vperm.xlane v9, v6;
	_ =	sdelay $0x1  }
0x65: {  	v10 =	vmul.f32 v10, v11;
	_ =	sdelay $0x1  }
0x66: {  	[tilespmem:s22+$0x10] =	vst v10  }
0x67: {  	v10 =	vld [tilespmem:s23+$0x20];
	_ =	sdelay $0x2  }
0x68: {  	v11 =	vperm.xlane v9, v7;
	_ =	sdelay $0x1  }
0x69: {  	v10 =	vmul.f32 v10, v11;
	_ =	sdelay $0x1  }
0x6a: {  	[tilespmem:s22+$0x20] =	vst v10  }
0x6b: {  	v10 =	vld [tilespmem:s23+$0x30];
	_ =	sdelay $0x2  }
0x6c: {  	v9 =	vperm.xlane v9, v8;
	_ =	sdelay $0x1  }
0x6d: {  	v9 =	vmul.f32 v10, v9;
	_ =	sdelay $0x1  }
0x6e: {  	s4 =	simm.s32 $0x10;
	s24 =	simm.s32 $0x80;
	[tilespmem:s22+$0x30] =	vst v9  }
.LBB2_3:
0x6f: {  	p1 =	sne.s32 s24, $0xC40;
	v9 =	vld [tilespmem:s4+$0x800]  }
0x70: {  	v10 =	vld [tilespmem:s4+$0x1C0];
	_ =	sdelay $0x3  }
0x71: {  	v9 =	vperm.xlane v9, v0;
	_ =	sdelay $0x1  }
0x72: {  	v9 =	vadd.f32 v9, v10;
	_ =	sdelay $0x1  }
0x73: {  	v10 =	vmul.f32 $2.000000030e-01, v9  }
0x74: {  	vm1 =	vgt.f32 v9, $0.0e+00  }
0x75: {  	v9 =	vsel vm1, v9, v10  }
0x76: {  	v9 =	vmul.f32 $1.442695020e+00, v9;
	_ =	sdelay $0x1  }
0x77: {  	(erf) = vpow2.f32 v9;
	_ =	sdelay $0x8  }
0x78: {  	v9 =	vpop (erf)  }
0x79: {  	s22 =	sadd.s32 $0x90, s22;
	v9 =	vnsel vm0, $0x0, v9  }
0x7a: {  	s23 =	sadd.s32 $0x80, s23;
	[tilespmem:s22+$0x40] =	vst v9;
	v10 =	vperm.xlane v9, v2;
	v11 =	vperm.xlane v9, v4  }
0x7b: {  	v13 =	vperm.xlane v9, v6;
	v14 =	vperm.xlane v9, v8;
	v12 =	vld [tilespmem:s23+$0xFFFFFFC0];
	_ =	sdelay $0x2  }
0x7c: {  	v15 =	vperm.xlane v9, v1;
	_ =	sdelay $0x1  }
0x7d: {  	v12 =	vmul.f32 v12, v15;
	_ =	sdelay $0x1  }
0x7e: {  	[tilespmem:s22+$0xFFFFFFC0] =	vst v12  }
0x7f: {  	v12 =	vld [tilespmem:s23+$0xFFFFFFD0];
	_ =	sdelay $0x4  }
0x80: {  	v10 =	vmul.f32 v12, v10;
	_ =	sdelay $0x1  }
0x81: {  	[tilespmem:s22+$0xFFFFFFD0] =	vst v10  }
0x82: {  	v10 =	vld [tilespmem:s23+$0xFFFFFFE0];
	_ =	sdelay $0x2  }
0x83: {  	v12 =	vperm.xlane v9, v3;
	_ =	sdelay $0x1  }
0x84: {  	v10 =	vmul.f32 v10, v12;
	_ =	sdelay $0x1  }
0x85: {  	[tilespmem:s22+$0xFFFFFFE0] =	vst v10  }
0x86: {  	v10 =	vld [tilespmem:s23+$0xFFFFFFF0];
	_ =	sdelay $0x4  }
0x87: {  	v10 =	vmul.f32 v10, v11;
	_ =	sdelay $0x1  }
0x88: {  	[tilespmem:s22+$0xFFFFFFF0] =	vst v10  }
0x89: {  	v10 =	vld [tilespmem:s23+$0x0];
	_ =	sdelay $0x2  }
0x8a: {  	v11 =	vperm.xlane v9, v5;
	_ =	sdelay $0x1  }
0x8b: {  	v10 =	vmul.f32 v10, v11;
	_ =	sdelay $0x1  }
0x8c: {  	[tilespmem:s22+$0x0] =	vst v10  }
0x8d: {  	v10 =	vld [tilespmem:s23+$0x10];
	_ =	sdelay $0x4  }
0x8e: {  	v10 =	vmul.f32 v10, v13;
	_ =	sdelay $0x1  }
0x8f: {  	[tilespmem:s22+$0x10] =	vst v10  }
0x90: {  	v10 =	vld [tilespmem:s23+$0x20];
	_ =	sdelay $0x2  }
0x91: {  	v9 =	vperm.xlane v9, v7;
	_ =	sdelay $0x1  }
0x92: {  	v9 =	vmul.f32 v10, v9;
	_ =	sdelay $0x1  }
0x93: {  	[tilespmem:s22+$0x20] =	vst v9  }
0x94: {  	v9 =	vld [tilespmem:s23+$0x30];
	_ =	sdelay $0x2  }
.Ltmp0:
0x95: {  	(pc) =	sbr.rel @p1 .LBB2_3-.Ltmp0, $3  }
0x96: {  	_ = 	snop  }
0x97: {  	v9 =	vmul.f32 v9, v14;
	_ =	sdelay $0x1  }
0x98: {  	s4 =	sshra.s32 s24, $0x2;
	s24 =	sadd.s32 $0x40, s24;
	[tilespmem:s22+$0x30] =	vst v9  }
0x99: {  	v9 =	vld [tilespmem:s4+$0x800];
	_ =	sdelay $0x1  }
0x9a: {  	v10 =	vld [tilespmem:s4+$0x1C0];
	_ =	sdelay $0x2  }
0x9b: {  	v9 =	vperm.xlane v9, v0;
	_ =	sdelay $0x1  }
0x9c: {  	v9 =	vadd.f32 v9, v10;
	_ =	sdelay $0x1  }
0x9d: {  	v10 =	vmul.f32 $2.000000030e-01, v9  }
0x9e: {  	vm1 =	vgt.f32 v9, $0.0e+00  }
0x9f: {  	v9 =	vsel vm1, v9, v10  }
0xa0: {  	v9 =	vmul.f32 $1.442695020e+00, v9;
	_ =	sdelay $0x1  }
0xa1: {  	(erf) = vpow2.f32 v9;
	_ =	sdelay $0x8  }
0xa2: {  	v9 =	vpop (erf)  }
0xa3: {  	s4 =	sadd.s32 $0x90, s22;
	v9 =	vnsel vm0, $0x0, v9  }
0xa4: {  	s24 =	sadd.s32 $0x80, s23;
	[tilespmem:s4+$0x40] =	vst v9  }
0xa5: {  	v10 =	vld [tilespmem:s24+$0xFFFFFFC0];
	_ =	sdelay $0x2  }
0xa6: {  	v11 =	vperm.xlane v9, v1;
	_ =	sdelay $0x1  }
0xa7: {  	v10 =	vmul.f32 v10, v11;
	_ =	sdelay $0x1  }
0xa8: {  	[tilespmem:s4+$0xFFFFFFC0] =	vst v10  }
0xa9: {  	v10 =	vld [tilespmem:s24+$0xFFFFFFD0];
	_ =	sdelay $0x2  }
0xaa: {  	v11 =	vperm.xlane v9, v2;
	_ =	sdelay $0x1  }
0xab: {  	v10 =	vmul.f32 v10, v11;
	_ =	sdelay $0x1  }
0xac: {  	[tilespmem:s4+$0xFFFFFFD0] =	vst v10  }
0xad: {  	v10 =	vld [tilespmem:s24+$0xFFFFFFE0];
	_ =	sdelay $0x2  }
0xae: {  	v11 =	vperm.xlane v9, v3;
	_ =	sdelay $0x1  }
0xaf: {  	v10 =	vmul.f32 v10, v11;
	_ =	sdelay $0x1  }
0xb0: {  	[tilespmem:s4+$0xFFFFFFE0] =	vst v10  }
0xb1: {  	v10 =	vld [tilespmem:s24+$0xFFFFFFF0];
	_ =	sdelay $0x2  }
0xb2: {  	v11 =	vperm.xlane v9, v4;
	_ =	sdelay $0x1  }
0xb3: {  	v10 =	vmul.f32 v10, v11;
	_ =	sdelay $0x1  }
0xb4: {  	[tilespmem:s4+$0xFFFFFFF0] =	vst v10  }
0xb5: {  	v10 =	vld [tilespmem:s24+$0x0];
	_ =	sdelay $0x2  }
0xb6: {  	v11 =	vperm.xlane v9, v5;
	_ =	sdelay $0x1  }
0xb7: {  	v10 =	vmul.f32 v10, v11;
	_ =	sdelay $0x1  }
0xb8: {  	[tilespmem:s4+$0x0] =	vst v10  }
0xb9: {  	v10 =	vld [tilespmem:s24+$0x10];
	_ =	sdelay $0x2  }
0xba: {  	v11 =	vperm.xlane v9, v6;
	_ =	sdelay $0x1  }
0xbb: {  	v10 =	vmul.f32 v10, v11;
	_ =	sdelay $0x1  }
0xbc: {  	[tilespmem:s4+$0x10] =	vst v10  }
0xbd: {  	v10 =	vld [tilespmem:s24+$0x20];
	_ =	sdelay $0x2  }
0xbe: {  	v11 =	vperm.xlane v9, v7;
	_ =	sdelay $0x1  }
0xbf: {  	v10 =	vmul.f32 v10, v11;
	_ =	sdelay $0x1  }
0xc0: {  	[tilespmem:s4+$0x20] =	vst v10  }
0xc1: {  	v10 =	vld [tilespmem:s24+$0x30];
	_ =	sdelay $0x2  }
0xc2: {  	v9 =	vperm.xlane v9, v8;
	_ =	sdelay $0x1  }
0xc3: {  	v9 =	vmul.f32 v10, v9;
	_ =	sdelay $0x1  }
0xc4: {  	s23 =	simm.s32 $0x38;
	[tilespmem:s4+$0x30] =	vst v9;
	s4 =	simm.s32 @!p0 $0x4  }
0xc5: {  	[spmem:s3] =	stream.indirect.scatter.add.f32 [tilespmem:s0], [sflag:$0x3], $0x90, s23, s20, $0xb8;
	[tilespmem:$0x1E080] =	vst v63  }
0xc6: {  	s24 =	sadd.s32 s21, s12;
	_ =	swait.ge @!p0 [sflag:s4], $0x1C20  }
0xc7: {  	s22 =	sshrl.u32 s24, $0x3;
	[sflag:s4] =	ssyncset.done @!p0 $0x0  }
0xc8: {  	s22 =	sadd.s32 s6, s22;
	s23 =	simm.s32 $0x0;
	[sflag:s4] =	ssyncadd.s32 @!p0 $0xFFFFE3E0  }
0xc9: {  	[tilespmem:s2], [sflag:$0x5] =	stream.linear.gather [hbm4b:s22+s23], $0x70, $0x38;
	[tilespmem:$0x1E080] =	vst v63  }
0xca: {  	_ =	swait.ge [sflag:s7], $0x70  }
0xcb: {  	[sflag:s7] =	ssyncset.done $0x0  }
0xcc: {  	s24 =	simm.s32 $0x1C0;
	[sflag:s7] =	ssyncadd.s32 $0xFFFFFF90  }
0xcd: {  	[tilespmem:s24], [sflag:$0x1] =	stream.indirect.gather [hbm4b:s5+s20], $0x10, s25, s20, $0xb8;
	[tilespmem:$0x1E080] =	vst v63  }
0xce: {  	s22 =	simm.s32 $0x800  }
0xcf: {  	[tilespmem:s22], [sflag:$0x1] =	stream.indirect.gather [hbm4b:s5+s20], $0x10, s10, s20, $0xb8;
	[tilespmem:$0x1E080] =	vst v63  }
0xd0: {  	s23 =	simm.s32 $0xE40  }
0xd1: {  	[tilespmem:s23], [sflag:$0x1] =	stream.indirect.gather [hbm4b:s1+s20], $0x80, s25, s20, $0xb8;
	[tilespmem:$0x1E080] =	vst v63  }
0xd2: {  	_ =	swait.ge [sflag:s15], $0x320  }
0xd3: {  	[sflag:s15] =	ssyncset.done $0x0  }
0xd4: {  	[sflag:s15] =	ssyncadd.s32 $0xFFFFFCE0  }
0xd5: {  	_ =	swait.ge [sflag:s15], $0x320  }
0xd6: {  	[sflag:s15] =	ssyncset.done $0x0  }
0xd7: {  	[sflag:s15] =	ssyncadd.s32 $0xFFFFFCE0  }
0xd8: {  	_ =	swait.ge [sflag:s15], $0x1900  }
0xd9: {  	[sflag:s15] =	ssyncset.done $0x0  }
0xda: {  	s24 =	simm.s32 $0x0;
	[sflag:s15] =	ssyncadd.s32 $0xFFFFE700  }
0xdb: {  	v9 =	vld [tilespmem:s24+$0xB20];
	_ =	sdelay $0x1  }
0xdc: {  	v10 =	vld [tilespmem:s24+$0x4E0];
	_ =	sdelay $0x2  }
0xdd: {  	v9 =	vperm.xlane v9, v0;
	_ =	sdelay $0x1  }
0xde: {  	v9 =	vadd.f32 v9, v10;
	_ =	sdelay $0x1  }
0xdf: {  	v10 =	vmul.f32 $2.000000030e-01, v9  }
0xe0: {  	vm1 =	vgt.f32 v9, $0.0e+00  }
0xe1: {  	v9 =	vsel vm1, v9, v10  }
0xe2: {  	v9 =	vmul.f32 $1.442695020e+00, v9;
	_ =	sdelay $0x1  }
0xe3: {  	(erf) = vpow2.f32 v9;
	_ =	sdelay $0x8  }
0xe4: {  	v9 =	vpop (erf)  }
0xe5: {  	s22 =	simm.s32 $0x5CA0;
	v9 =	vnsel vm0, $0x0, v9  }
0xe6: {  	s23 =	simm.s32 $0x2780;
	[tilespmem:s22+$0x40] =	vst v9  }
0xe7: {  	v10 =	vld [tilespmem:s23+$0xFFFFFFC0];
	_ =	sdelay $0x2  }
0xe8: {  	v11 =	vperm.xlane v9, v1;
	_ =	sdelay $0x1  }
0xe9: {  	v10 =	vmul.f32 v10, v11;
	_ =	sdelay $0x1  }
0xea: {  	[tilespmem:s22+$0xFFFFFFC0] =	vst v10  }
0xeb: {  	v10 =	vld [tilespmem:s23+$0xFFFFFFD0];
	_ =	sdelay $0x2  }
0xec: {  	v11 =	vperm.xlane v9, v2;
	_ =	sdelay $0x1  }
0xed: {  	v10 =	vmul.f32 v10, v11;
	_ =	sdelay $0x1  }
0xee: {  	[tilespmem:s22+$0xFFFFFFD0] =	vst v10  }
0xef: {  	v10 =	vld [tilespmem:s23+$0xFFFFFFE0];
	_ =	sdelay $0x2  }
0xf0: {  	v11 =	vperm.xlane v9, v3;
	_ =	sdelay $0x1  }
0xf1: {  	v10 =	vmul.f32 v10, v11;
	_ =	sdelay $0x1  }
0xf2: {  	[tilespmem:s22+$0xFFFFFFE0] =	vst v10  }
0xf3: {  	v10 =	vld [tilespmem:s23+$0xFFFFFFF0];
	_ =	sdelay $0x2  }
0xf4: {  	v11 =	vperm.xlane v9, v4;
	_ =	sdelay $0x1  }
0xf5: {  	v10 =	vmul.f32 v10, v11;
	_ =	sdelay $0x1  }
0xf6: {  	[tilespmem:s22+$0xFFFFFFF0] =	vst v10  }
0xf7: {  	v10 =	vld [tilespmem:s23+$0x0];
	_ =	sdelay $0x2  }
0xf8: {  	v11 =	vperm.xlane v9, v5;
	_ =	sdelay $0x1  }
0xf9: {  	v10 =	vmul.f32 v10, v11;
	_ =	sdelay $0x1  }
0xfa: {  	[tilespmem:s22+$0x0] =	vst v10  }
0xfb: {  	v10 =	vld [tilespmem:s23+$0x10];
	_ =	sdelay $0x2  }
0xfc: {  	v11 =	vperm.xlane v9, v6;
	_ =	sdelay $0x1  }
0xfd: {  	v10 =	vmul.f32 v10, v11;
	_ =	sdelay $0x1  }
0xfe: {  	[tilespmem:s22+$0x10] =	vst v10  }
0xff: {  	v10 =	vld [tilespmem:s23+$0x20];
	_ =	sdelay $0x2  }
0x100: {  	v11 =	vperm.xlane v9, v7;
	_ =	sdelay $0x1  }
0x101: {  	v10 =	vmul.f32 v10, v11;
	_ =	sdelay $0x1  }
0x102: {  	[tilespmem:s22+$0x20] =	vst v10  }
0x103: {  	v10 =	vld [tilespmem:s23+$0x30];
	_ =	sdelay $0x2  }
0x104: {  	v9 =	vperm.xlane v9, v8;
	_ =	sdelay $0x1  }
0x105: {  	v9 =	vmul.f32 v10, v9;
	_ =	sdelay $0x1  }
0x106: {  	s4 =	simm.s32 $0x10;
	s24 =	simm.s32 $0x80;
	[tilespmem:s22+$0x30] =	vst v9  }
.LBB2_5:
0x107: {  	p0 =	sne.s32 s24, $0xC40;
	v9 =	vld [tilespmem:s4+$0xB20]  }
0x108: {  	v10 =	vld [tilespmem:s4+$0x4E0];
	_ =	sdelay $0x3  }
0x109: {  	v9 =	vperm.xlane v9, v0;
	_ =	sdelay $0x1  }
0x10a: {  	v9 =	vadd.f32 v9, v10;
	_ =	sdelay $0x1  }
0x10b: {  	v10 =	vmul.f32 $2.000000030e-01, v9  }
0x10c: {  	vm1 =	vgt.f32 v9, $0.0e+00  }
0x10d: {  	v9 =	vsel vm1, v9, v10  }
0x10e: {  	v9 =	vmul.f32 $1.442695020e+00, v9;
	_ =	sdelay $0x1  }
0x10f: {  	(erf) = vpow2.f32 v9;
	_ =	sdelay $0x8  }
0x110: {  	v9 =	vpop (erf)  }
0x111: {  	s22 =	sadd.s32 $0x90, s22;
	v9 =	vnsel vm0, $0x0, v9  }
0x112: {  	s23 =	sadd.s32 $0x80, s23;
	[tilespmem:s22+$0x40] =	vst v9;
	v10 =	vperm.xlane v9, v2;
	v11 =	vperm.xlane v9, v4  }
0x113: {  	v13 =	vperm.xlane v9, v6;
	v14 =	vperm.xlane v9, v8;
	v12 =	vld [tilespmem:s23+$0xFFFFFFC0];
	_ =	sdelay $0x2  }
0x114: {  	v15 =	vperm.xlane v9, v1;
	_ =	sdelay $0x1  }
0x115: {  	v12 =	vmul.f32 v12, v15;
	_ =	sdelay $0x1  }
0x116: {  	[tilespmem:s22+$0xFFFFFFC0] =	vst v12  }
0x117: {  	v12 =	vld [tilespmem:s23+$0xFFFFFFD0];
	_ =	sdelay $0x4  }
0x118: {  	v10 =	vmul.f32 v12, v10;
	_ =	sdelay $0x1  }
0x119: {  	[tilespmem:s22+$0xFFFFFFD0] =	vst v10  }
0x11a: {  	v10 =	vld [tilespmem:s23+$0xFFFFFFE0];
	_ =	sdelay $0x2  }
0x11b: {  	v12 =	vperm.xlane v9, v3;
	_ =	sdelay $0x1  }
0x11c: {  	v10 =	vmul.f32 v10, v12;
	_ =	sdelay $0x1  }
0x11d: {  	[tilespmem:s22+$0xFFFFFFE0] =	vst v10  }
0x11e: {  	v10 =	vld [tilespmem:s23+$0xFFFFFFF0];
	_ =	sdelay $0x4  }
0x11f: {  	v10 =	vmul.f32 v10, v11;
	_ =	sdelay $0x1  }
0x120: {  	[tilespmem:s22+$0xFFFFFFF0] =	vst v10  }
0x121: {  	v10 =	vld [tilespmem:s23+$0x0];
	_ =	sdelay $0x2  }
0x122: {  	v11 =	vperm.xlane v9, v5;
	_ =	sdelay $0x1  }
0x123: {  	v10 =	vmul.f32 v10, v11;
	_ =	sdelay $0x1  }
0x124: {  	[tilespmem:s22+$0x0] =	vst v10  }
0x125: {  	v10 =	vld [tilespmem:s23+$0x10];
	_ =	sdelay $0x4  }
0x126: {  	v10 =	vmul.f32 v10, v13;
	_ =	sdelay $0x1  }
0x127: {  	[tilespmem:s22+$0x10] =	vst v10  }
0x128: {  	v10 =	vld [tilespmem:s23+$0x20];
	_ =	sdelay $0x2  }
0x129: {  	v9 =	vperm.xlane v9, v7;
	_ =	sdelay $0x1  }
0x12a: {  	v9 =	vmul.f32 v10, v9;
	_ =	sdelay $0x1  }
0x12b: {  	[tilespmem:s22+$0x20] =	vst v9  }
0x12c: {  	v9 =	vld [tilespmem:s23+$0x30];
	_ =	sdelay $0x2  }
.Ltmp1:
0x12d: {  	(pc) =	sbr.rel @p0 .LBB2_5-.Ltmp1, $3  }
0x12e: {  	_ = 	snop  }
0x12f: {  	v9 =	vmul.f32 v9, v14;
	_ =	sdelay $0x1  }
0x130: {  	s4 =	sshra.s32 s24, $0x2;
	s24 =	sadd.s32 $0x40, s24;
	[tilespmem:s22+$0x30] =	vst v9  }
0x131: {  	v9 =	vld [tilespmem:s4+$0xB20];
	_ =	sdelay $0x1  }
0x132: {  	v10 =	vld [tilespmem:s4+$0x4E0];
	_ =	sdelay $0x2  }
0x133: {  	v9 =	vperm.xlane v9, v0;
	_ =	sdelay $0x1  }
0x134: {  	v9 =	vadd.f32 v9, v10;
	_ =	sdelay $0x1  }
0x135: {  	v10 =	vmul.f32 $2.000000030e-01, v9  }
0x136: {  	vm1 =	vgt.f32 v9, $0.0e+00  }
0x137: {  	v9 =	vsel vm1, v9, v10  }
0x138: {  	v9 =	vmul.f32 $1.442695020e+00, v9;
	_ =	sdelay $0x1  }
0x139: {  	(erf) = vpow2.f32 v9;
	_ =	sdelay $0x8  }
0x13a: {  	v9 =	vpop (erf)  }
0x13b: {  	s24 =	sadd.s32 $0x90, s22;
	v9 =	vnsel vm0, $0x0, v9  }
0x13c: {  	s23 =	sadd.s32 $0x80, s23;
	[tilespmem:s24+$0x40] =	vst v9  }
0x13d: {  	v10 =	vld [tilespmem:s23+$0xFFFFFFC0];
	_ =	sdelay $0x2  }
0x13e: {  	v11 =	vperm.xlane v9, v1;
	_ =	sdelay $0x1  }
0x13f: {  	v10 =	vmul.f32 v10, v11;
	_ =	sdelay $0x1  }
0x140: {  	[tilespmem:s24+$0xFFFFFFC0] =	vst v10  }
0x141: {  	v10 =	vld [tilespmem:s23+$0xFFFFFFD0];
	_ =	sdelay $0x2  }
0x142: {  	v11 =	vperm.xlane v9, v2;
	_ =	sdelay $0x1  }
0x143: {  	v10 =	vmul.f32 v10, v11;
	_ =	sdelay $0x1  }
0x144: {  	[tilespmem:s24+$0xFFFFFFD0] =	vst v10  }
0x145: {  	v10 =	vld [tilespmem:s23+$0xFFFFFFE0];
	_ =	sdelay $0x2  }
0x146: {  	v11 =	vperm.xlane v9, v3;
	_ =	sdelay $0x1  }
0x147: {  	v10 =	vmul.f32 v10, v11;
	_ =	sdelay $0x1  }
0x148: {  	[tilespmem:s24+$0xFFFFFFE0] =	vst v10  }
0x149: {  	v10 =	vld [tilespmem:s23+$0xFFFFFFF0];
	_ =	sdelay $0x2  }
0x14a: {  	v11 =	vperm.xlane v9, v4;
	_ =	sdelay $0x1  }
0x14b: {  	v10 =	vmul.f32 v10, v11;
	_ =	sdelay $0x1  }
0x14c: {  	[tilespmem:s24+$0xFFFFFFF0] =	vst v10  }
0x14d: {  	v10 =	vld [tilespmem:s23+$0x0];
	_ =	sdelay $0x2  }
0x14e: {  	v11 =	vperm.xlane v9, v5;
	_ =	sdelay $0x1  }
0x14f: {  	v10 =	vmul.f32 v10, v11;
	_ =	sdelay $0x1  }
0x150: {  	[tilespmem:s24+$0x0] =	vst v10  }
0x151: {  	v10 =	vld [tilespmem:s23+$0x10];
	_ =	sdelay $0x2  }
0x152: {  	v11 =	vperm.xlane v9, v6;
	_ =	sdelay $0x1  }
0x153: {  	v10 =	vmul.f32 v10, v11;
	_ =	sdelay $0x1  }
0x154: {  	[tilespmem:s24+$0x10] =	vst v10  }
0x155: {  	v10 =	vld [tilespmem:s23+$0x20];
	_ =	sdelay $0x2  }
0x156: {  	v11 =	vperm.xlane v9, v7;
	_ =	sdelay $0x1  }
0x157: {  	v10 =	vmul.f32 v10, v11;
	_ =	sdelay $0x1  }
0x158: {  	[tilespmem:s24+$0x20] =	vst v10  }
0x159: {  	v10 =	vld [tilespmem:s23+$0x30];
	_ =	sdelay $0x2  }
0x15a: {  	v9 =	vperm.xlane v9, v8;
	_ =	sdelay $0x1  }
0x15b: {  	v9 =	vmul.f32 v10, v9;
	_ =	sdelay $0x1  }
0x15c: {  	p0 =	seq.s32 s18, $0x31;
	[tilespmem:s24+$0x30] =	vst v9  }
0x15d: {  	[spmem:s3] =	stream.indirect.scatter.add.f32 [tilespmem:s16], [sflag:$0x4], $0x90, s28, s20, $0xb8;
	[tilespmem:$0x1E080] =	vst v63  }
0x15e: {  	s4 =	sadd.s32 @!p0 s21, s13;
	_ =	swait.ge [sflag:s8], $0x1C20  }
0x15f: {  	s4 =	sshrl.u32 @!p0 s4, $0x3;
	[sflag:s8] =	ssyncset.done $0x0  }
0x160: {  	s22 =	simm.s32 @!p0 $0x0;
	s4 =	sadd.s32 @!p0 s6, s4;
	[sflag:s8] =	ssyncadd.s32 $0xFFFFE3E0  }
0x161: {  	[tilespmem:s22], [sflag:$0x5] =	stream.linear.gather @!p0 [hbm4b:s4+s22], $0x70, $0x38;
	[tilespmem:$0x1E080] =	vst v63  }
0x162: {  	_ =	swait.ge [sflag:s7], $0x70  }
0x163: {  	[sflag:s7] =	ssyncset.done $0x0  }
0x164: {  	[sflag:s7] =	ssyncadd.s32 $0xFFFFFF90  }
0x165: {  	[tilespmem:s26], [sflag:$0x2] =	stream.indirect.gather [hbm4b:s5+s20], $0x10, s2, s20, $0xb8;
	[tilespmem:$0x1E080] =	vst v63  }
0x166: {  	_ = 	snop  }
0x167: {  	[tilespmem:s29], [sflag:$0x2] =	stream.indirect.gather [hbm4b:s5+s20], $0x10, s9, s20, $0xb8;
	[tilespmem:$0x1E080] =	vst v63  }
0x168: {  	_ = 	snop  }
0x169: {  	[tilespmem:s30], [sflag:$0x2] =	stream.indirect.gather [hbm4b:s1+s20], $0x80, s2, s20, $0xb8;
	[tilespmem:$0x1E080] =	vst v63  }
0x16a: {  	_ =	swait.ge [sflag:s31], $0x320  }
0x16b: {  	[sflag:s31] =	ssyncset.done $0x0  }
0x16c: {  	[sflag:s31] =	ssyncadd.s32 $0xFFFFFCE0  }
0x16d: {  	_ =	swait.ge [sflag:s31], $0x320  }
0x16e: {  	[sflag:s31] =	ssyncset.done $0x0  }
0x16f: {  	[sflag:s31] =	ssyncadd.s32 $0xFFFFFCE0  }
0x170: {  	_ =	swait.ge [sflag:s31], $0x1900  }
0x171: {  	[sflag:s31] =	ssyncset.done $0x0  }
0x172: {  	s24 =	simm.s32 $0x0;
	[sflag:s31] =	ssyncadd.s32 $0xFFFFE700  }
0x173: {  	v9 =	vld [tilespmem:s24+$0x800];
	_ =	sdelay $0x1  }
0x174: {  	v10 =	vld [tilespmem:s24+$0x1C0];
	_ =	sdelay $0x2  }
0x175: {  	v9 =	vperm.xlane v9, v0;
	_ =	sdelay $0x1  }
0x176: {  	v9 =	vadd.f32 v9, v10;
	_ =	sdelay $0x1  }
0x177: {  	v10 =	vmul.f32 $2.000000030e-01, v9  }
0x178: {  	vm1 =	vgt.f32 v9, $0.0e+00  }
0x179: {  	v9 =	vsel vm1, v9, v10  }
0x17a: {  	v9 =	vmul.f32 $1.442695020e+00, v9;
	_ =	sdelay $0x1  }
0x17b: {  	(erf) = vpow2.f32 v9;
	_ =	sdelay $0x8  }
0x17c: {  	v9 =	vpop (erf)  }
0x17d: {  	s22 =	simm.s32 $0x4080;
	v9 =	vnsel vm0, $0x0, v9  }
0x17e: {  	s23 =	simm.s32 $0xE80;
	[tilespmem:s22+$0x40] =	vst v9  }
0x17f: {  	v10 =	vld [tilespmem:s23+$0xFFFFFFC0];
	_ =	sdelay $0x2  }
0x180: {  	v11 =	vperm.xlane v9, v1;
	_ =	sdelay $0x1  }
0x181: {  	v10 =	vmul.f32 v10, v11;
	_ =	sdelay $0x1  }
0x182: {  	[tilespmem:s22+$0xFFFFFFC0] =	vst v10  }
0x183: {  	v10 =	vld [tilespmem:s23+$0xFFFFFFD0];
	_ =	sdelay $0x2  }
0x184: {  	v11 =	vperm.xlane v9, v2;
	_ =	sdelay $0x1  }
0x185: {  	v10 =	vmul.f32 v10, v11;
	_ =	sdelay $0x1  }
0x186: {  	[tilespmem:s22+$0xFFFFFFD0] =	vst v10  }
0x187: {  	v10 =	vld [tilespmem:s23+$0xFFFFFFE0];
	_ =	sdelay $0x2  }
0x188: {  	v11 =	vperm.xlane v9, v3;
	_ =	sdelay $0x1  }
0x189: {  	v10 =	vmul.f32 v10, v11;
	_ =	sdelay $0x1  }
0x18a: {  	[tilespmem:s22+$0xFFFFFFE0] =	vst v10  }
0x18b: {  	v10 =	vld [tilespmem:s23+$0xFFFFFFF0];
	_ =	sdelay $0x2  }
0x18c: {  	v11 =	vperm.xlane v9, v4;
	_ =	sdelay $0x1  }
0x18d: {  	v10 =	vmul.f32 v10, v11;
	_ =	sdelay $0x1  }
0x18e: {  	[tilespmem:s22+$0xFFFFFFF0] =	vst v10  }
0x18f: {  	v10 =	vld [tilespmem:s23+$0x0];
	_ =	sdelay $0x2  }
0x190: {  	v11 =	vperm.xlane v9, v5;
	_ =	sdelay $0x1  }
0x191: {  	v10 =	vmul.f32 v10, v11;
	_ =	sdelay $0x1  }
0x192: {  	[tilespmem:s22+$0x0] =	vst v10  }
0x193: {  	v10 =	vld [tilespmem:s23+$0x10];
	_ =	sdelay $0x2  }
0x194: {  	v11 =	vperm.xlane v9, v6;
	_ =	sdelay $0x1  }
0x195: {  	v10 =	vmul.f32 v10, v11;
	_ =	sdelay $0x1  }
0x196: {  	[tilespmem:s22+$0x10] =	vst v10  }
0x197: {  	v10 =	vld [tilespmem:s23+$0x20];
	_ =	sdelay $0x2  }
0x198: {  	v11 =	vperm.xlane v9, v7;
	_ =	sdelay $0x1  }
0x199: {  	v10 =	vmul.f32 v10, v11;
	_ =	sdelay $0x1  }
0x19a: {  	[tilespmem:s22+$0x20] =	vst v10  }
0x19b: {  	v10 =	vld [tilespmem:s23+$0x30];
	_ =	sdelay $0x2  }
0x19c: {  	v9 =	vperm.xlane v9, v8;
	_ =	sdelay $0x1  }
0x19d: {  	v9 =	vmul.f32 v10, v9;
	_ =	sdelay $0x1  }
0x19e: {  	s4 =	simm.s32 $0x10;
	s24 =	simm.s32 $0x80;
	[tilespmem:s22+$0x30] =	vst v9  }
.LBB2_7:
0x19f: {  	p1 =	sne.s32 s24, $0xC40;
	v9 =	vld [tilespmem:s4+$0x800]  }
0x1a0: {  	v10 =	vld [tilespmem:s4+$0x1C0];
	_ =	sdelay $0x3  }
0x1a1: {  	v9 =	vperm.xlane v9, v0;
	_ =	sdelay $0x1  }
0x1a2: {  	v9 =	vadd.f32 v9, v10;
	_ =	sdelay $0x1  }
0x1a3: {  	v10 =	vmul.f32 $2.000000030e-01, v9  }
0x1a4: {  	vm1 =	vgt.f32 v9, $0.0e+00  }
0x1a5: {  	v9 =	vsel vm1, v9, v10  }
0x1a6: {  	v9 =	vmul.f32 $1.442695020e+00, v9;
	_ =	sdelay $0x1  }
0x1a7: {  	(erf) = vpow2.f32 v9;
	_ =	sdelay $0x8  }
0x1a8: {  	v9 =	vpop (erf)  }
0x1a9: {  	s22 =	sadd.s32 $0x90, s22;
	v9 =	vnsel vm0, $0x0, v9  }
0x1aa: {  	s23 =	sadd.s32 $0x80, s23;
	[tilespmem:s22+$0x40] =	vst v9;
	v10 =	vperm.xlane v9, v2;
	v11 =	vperm.xlane v9, v4  }
0x1ab: {  	v13 =	vperm.xlane v9, v6;
	v14 =	vperm.xlane v9, v8;
	v12 =	vld [tilespmem:s23+$0xFFFFFFC0];
	_ =	sdelay $0x2  }
0x1ac: {  	v15 =	vperm.xlane v9, v1;
	_ =	sdelay $0x1  }
0x1ad: {  	v12 =	vmul.f32 v12, v15;
	_ =	sdelay $0x1  }
0x1ae: {  	[tilespmem:s22+$0xFFFFFFC0] =	vst v12  }
0x1af: {  	v12 =	vld [tilespmem:s23+$0xFFFFFFD0];
	_ =	sdelay $0x4  }
0x1b0: {  	v10 =	vmul.f32 v12, v10;
	_ =	sdelay $0x1  }
0x1b1: {  	[tilespmem:s22+$0xFFFFFFD0] =	vst v10  }
0x1b2: {  	v10 =	vld [tilespmem:s23+$0xFFFFFFE0];
	_ =	sdelay $0x2  }
0x1b3: {  	v12 =	vperm.xlane v9, v3;
	_ =	sdelay $0x1  }
0x1b4: {  	v10 =	vmul.f32 v10, v12;
	_ =	sdelay $0x1  }
0x1b5: {  	[tilespmem:s22+$0xFFFFFFE0] =	vst v10  }
0x1b6: {  	v10 =	vld [tilespmem:s23+$0xFFFFFFF0];
	_ =	sdelay $0x4  }
0x1b7: {  	v10 =	vmul.f32 v10, v11;
	_ =	sdelay $0x1  }
0x1b8: {  	[tilespmem:s22+$0xFFFFFFF0] =	vst v10  }
0x1b9: {  	v10 =	vld [tilespmem:s23+$0x0];
	_ =	sdelay $0x2  }
0x1ba: {  	v11 =	vperm.xlane v9, v5;
	_ =	sdelay $0x1  }
0x1bb: {  	v10 =	vmul.f32 v10, v11;
	_ =	sdelay $0x1  }
0x1bc: {  	[tilespmem:s22+$0x0] =	vst v10  }
0x1bd: {  	v10 =	vld [tilespmem:s23+$0x10];
	_ =	sdelay $0x4  }
0x1be: {  	v10 =	vmul.f32 v10, v13;
	_ =	sdelay $0x1  }
0x1bf: {  	[tilespmem:s22+$0x10] =	vst v10  }
0x1c0: {  	v10 =	vld [tilespmem:s23+$0x20];
	_ =	sdelay $0x2  }
0x1c1: {  	v9 =	vperm.xlane v9, v7;
	_ =	sdelay $0x1  }
0x1c2: {  	v9 =	vmul.f32 v10, v9;
	_ =	sdelay $0x1  }
0x1c3: {  	[tilespmem:s22+$0x20] =	vst v9  }
0x1c4: {  	v9 =	vld [tilespmem:s23+$0x30];
	_ =	sdelay $0x2  }
.Ltmp2:
0x1c5: {  	(pc) =	sbr.rel @p1 .LBB2_7-.Ltmp2, $3  }
0x1c6: {  	_ = 	snop  }
0x1c7: {  	v9 =	vmul.f32 v9, v14;
	_ =	sdelay $0x1  }
0x1c8: {  	s4 =	sshra.s32 s24, $0x2;
	s24 =	sadd.s32 $0x40, s24;
	[tilespmem:s22+$0x30] =	vst v9  }
0x1c9: {  	v9 =	vld [tilespmem:s4+$0x800];
	_ =	sdelay $0x1  }
0x1ca: {  	v10 =	vld [tilespmem:s4+$0x1C0];
	_ =	sdelay $0x2  }
0x1cb: {  	v9 =	vperm.xlane v9, v0;
	_ =	sdelay $0x1  }
0x1cc: {  	v9 =	vadd.f32 v9, v10;
	_ =	sdelay $0x1  }
0x1cd: {  	v10 =	vmul.f32 $2.000000030e-01, v9  }
0x1ce: {  	vm1 =	vgt.f32 v9, $0.0e+00  }
0x1cf: {  	v9 =	vsel vm1, v9, v10  }
0x1d0: {  	v9 =	vmul.f32 $1.442695020e+00, v9;
	_ =	sdelay $0x1  }
0x1d1: {  	(erf) = vpow2.f32 v9;
	_ =	sdelay $0x8  }
0x1d2: {  	v9 =	vpop (erf)  }
0x1d3: {  	s24 =	sadd.s32 $0x90, s22;
	v9 =	vnsel vm0, $0x0, v9  }
0x1d4: {  	s23 =	sadd.s32 $0x80, s23;
	[tilespmem:s24+$0x40] =	vst v9  }
0x1d5: {  	v10 =	vld [tilespmem:s23+$0xFFFFFFC0];
	_ =	sdelay $0x2  }
0x1d6: {  	v11 =	vperm.xlane v9, v1;
	_ =	sdelay $0x1  }
0x1d7: {  	v10 =	vmul.f32 v10, v11;
	_ =	sdelay $0x1  }
0x1d8: {  	[tilespmem:s24+$0xFFFFFFC0] =	vst v10  }
0x1d9: {  	v10 =	vld [tilespmem:s23+$0xFFFFFFD0];
	_ =	sdelay $0x2  }
0x1da: {  	v11 =	vperm.xlane v9, v2;
	_ =	sdelay $0x1  }
0x1db: {  	v10 =	vmul.f32 v10, v11;
	_ =	sdelay $0x1  }
0x1dc: {  	[tilespmem:s24+$0xFFFFFFD0] =	vst v10  }
0x1dd: {  	v10 =	vld [tilespmem:s23+$0xFFFFFFE0];
	_ =	sdelay $0x2  }
0x1de: {  	v11 =	vperm.xlane v9, v3;
	_ =	sdelay $0x1  }
0x1df: {  	v10 =	vmul.f32 v10, v11;
	_ =	sdelay $0x1  }
0x1e0: {  	[tilespmem:s24+$0xFFFFFFE0] =	vst v10  }
0x1e1: {  	v10 =	vld [tilespmem:s23+$0xFFFFFFF0];
	_ =	sdelay $0x2  }
0x1e2: {  	v11 =	vperm.xlane v9, v4;
	_ =	sdelay $0x1  }
0x1e3: {  	v10 =	vmul.f32 v10, v11;
	_ =	sdelay $0x1  }
0x1e4: {  	[tilespmem:s24+$0xFFFFFFF0] =	vst v10  }
0x1e5: {  	v10 =	vld [tilespmem:s23+$0x0];
	_ =	sdelay $0x2  }
0x1e6: {  	v11 =	vperm.xlane v9, v5;
	_ =	sdelay $0x1  }
0x1e7: {  	v10 =	vmul.f32 v10, v11;
	_ =	sdelay $0x1  }
0x1e8: {  	[tilespmem:s24+$0x0] =	vst v10  }
0x1e9: {  	v10 =	vld [tilespmem:s23+$0x10];
	_ =	sdelay $0x2  }
0x1ea: {  	v11 =	vperm.xlane v9, v6;
	_ =	sdelay $0x1  }
0x1eb: {  	v10 =	vmul.f32 v10, v11;
	_ =	sdelay $0x1  }
0x1ec: {  	[tilespmem:s24+$0x10] =	vst v10  }
0x1ed: {  	v10 =	vld [tilespmem:s23+$0x20];
	_ =	sdelay $0x2  }
0x1ee: {  	v11 =	vperm.xlane v9, v7;
	_ =	sdelay $0x1  }
0x1ef: {  	v10 =	vmul.f32 v10, v11;
	_ =	sdelay $0x1  }
0x1f0: {  	[tilespmem:s24+$0x20] =	vst v10  }
0x1f1: {  	v10 =	vld [tilespmem:s23+$0x30];
	_ =	sdelay $0x2  }
0x1f2: {  	v9 =	vperm.xlane v9, v8;
	_ =	sdelay $0x1  }
0x1f3: {  	v9 =	vmul.f32 v10, v9;
	_ =	sdelay $0x1  }
0x1f4: {  	[tilespmem:s24+$0x30] =	vst v9  }
0x1f5: {  	[spmem:s3] =	stream.indirect.scatter.add.f32 [tilespmem:s0], [sflag:$0x3], $0x90, s10, s20, $0xb8;
	[tilespmem:$0x1E080] =	vst v63  }
0x1f6: {  	s4 =	sadd.s32 @!p0 s21, s14;
	_ =	swait.ge [sflag:s17], $0x1C20  }
0x1f7: {  	s21 =	simm.s32 @!p0 $0x0;
	s4 =	sshrl.u32 @!p0 s4, $0x3;
	[sflag:s17] =	ssyncset.done $0x0  }
0x1f8: {  	s22 =	simm.s32 @!p0 $0x70;
	s4 =	sadd.s32 @!p0 s6, s4;
	[sflag:s17] =	ssyncadd.s32 $0xFFFFE3E0  }
0x1f9: {  	[tilespmem:s22], [sflag:$0x5] =	stream.linear.gather @!p0 [hbm4b:s4+s21], $0x70, $0x38;
	[tilespmem:$0x1E080] =	vst v63  }
0x1fa: {  	s4 =	simm.s32 @!p0 $0x5  }
0x1fb: {  	_ =	swait.ge @!p0 [sflag:s4], $0x70  }
0x1fc: {  	[sflag:s4] =	ssyncset.done @!p0 $0x0  }
0x1fd: {  	s22 =	simm.s32 @!p0 $0x1C0;
	[sflag:s4] =	ssyncadd.s32 @!p0 $0xFFFFFF90;
	s4 =	simm.s32 @!p0 $0x32  }
0x1fe: {  	[tilespmem:s22], [sflag:$0x1] =	stream.indirect.gather @!p0 [hbm4b:s5+s4], $0x10, s21, s4, $0xb8;
	[tilespmem:$0x1E080] =	vst v63  }
0x1ff: {  	s23 =	simm.s32 @!p0 $0x800;
	s22 =	simm.s32 @!p0 $0x38  }
0x200: {  	[tilespmem:s23], [sflag:$0x1] =	stream.indirect.gather @!p0 [hbm4b:s5+s4], $0x10, s22, s4, $0xb8;
	[tilespmem:$0x1E080] =	vst v63  }
0x201: {  	s22 =	simm.s32 @!p0 $0xE40  }
0x202: {  	[tilespmem:s22], [sflag:$0x1] =	stream.indirect.gather @!p0 [hbm4b:s1+s4], $0x80, s21, s4, $0xb8;
	[tilespmem:$0x1E080] =	vst v63  }
0x203: {  	_ =	swait.ge [sflag:s15], $0x320  }
0x204: {  	[sflag:s15] =	ssyncset.done $0x0  }
0x205: {  	[sflag:s15] =	ssyncadd.s32 $0xFFFFFCE0  }
0x206: {  	_ =	swait.ge [sflag:s15], $0x320  }
0x207: {  	[sflag:s15] =	ssyncset.done $0x0  }
0x208: {  	[sflag:s15] =	ssyncadd.s32 $0xFFFFFCE0  }
0x209: {  	_ =	swait.ge [sflag:s15], $0x1900  }
0x20a: {  	[sflag:s15] =	ssyncset.done $0x0  }
0x20b: {  	s24 =	simm.s32 $0x0;
	[sflag:s15] =	ssyncadd.s32 $0xFFFFE700  }
0x20c: {  	v9 =	vld [tilespmem:s24+$0xB20];
	_ =	sdelay $0x1  }
0x20d: {  	v10 =	vld [tilespmem:s24+$0x4E0];
	_ =	sdelay $0x2  }
0x20e: {  	v9 =	vperm.xlane v9, v0;
	_ =	sdelay $0x1  }
0x20f: {  	v9 =	vadd.f32 v9, v10;
	_ =	sdelay $0x1  }
0x210: {  	v10 =	vmul.f32 $2.000000030e-01, v9  }
0x211: {  	vm1 =	vgt.f32 v9, $0.0e+00  }
0x212: {  	v9 =	vsel vm1, v9, v10  }
0x213: {  	v9 =	vmul.f32 $1.442695020e+00, v9;
	_ =	sdelay $0x1  }
0x214: {  	(erf) = vpow2.f32 v9;
	_ =	sdelay $0x8  }
0x215: {  	v9 =	vpop (erf)  }
0x216: {  	s21 =	simm.s32 $0x5CA0;
	v9 =	vnsel vm0, $0x0, v9  }
0x217: {  	s22 =	simm.s32 $0x2780;
	[tilespmem:s21+$0x40] =	vst v9  }
0x218: {  	v10 =	vld [tilespmem:s22+$0xFFFFFFC0];
	_ =	sdelay $0x2  }
0x219: {  	v11 =	vperm.xlane v9, v1;
	_ =	sdelay $0x1  }
0x21a: {  	v10 =	vmul.f32 v10, v11;
	_ =	sdelay $0x1  }
0x21b: {  	[tilespmem:s21+$0xFFFFFFC0] =	vst v10  }
0x21c: {  	v10 =	vld [tilespmem:s22+$0xFFFFFFD0];
	_ =	sdelay $0x2  }
0x21d: {  	v11 =	vperm.xlane v9, v2;
	_ =	sdelay $0x1  }
0x21e: {  	v10 =	vmul.f32 v10, v11;
	_ =	sdelay $0x1  }
0x21f: {  	[tilespmem:s21+$0xFFFFFFD0] =	vst v10  }
0x220: {  	v10 =	vld [tilespmem:s22+$0xFFFFFFE0];
	_ =	sdelay $0x2  }
0x221: {  	v11 =	vperm.xlane v9, v3;
	_ =	sdelay $0x1  }
0x222: {  	v10 =	vmul.f32 v10, v11;
	_ =	sdelay $0x1  }
0x223: {  	[tilespmem:s21+$0xFFFFFFE0] =	vst v10  }
0x224: {  	v10 =	vld [tilespmem:s22+$0xFFFFFFF0];
	_ =	sdelay $0x2  }
0x225: {  	v11 =	vperm.xlane v9, v4;
	_ =	sdelay $0x1  }
0x226: {  	v10 =	vmul.f32 v10, v11;
	_ =	sdelay $0x1  }
0x227: {  	[tilespmem:s21+$0xFFFFFFF0] =	vst v10  }
0x228: {  	v10 =	vld [tilespmem:s22+$0x0];
	_ =	sdelay $0x2  }
0x229: {  	v11 =	vperm.xlane v9, v5;
	_ =	sdelay $0x1  }
0x22a: {  	v10 =	vmul.f32 v10, v11;
	_ =	sdelay $0x1  }
0x22b: {  	[tilespmem:s21+$0x0] =	vst v10  }
0x22c: {  	v10 =	vld [tilespmem:s22+$0x10];
	_ =	sdelay $0x2  }
0x22d: {  	v11 =	vperm.xlane v9, v6;
	_ =	sdelay $0x1  }
0x22e: {  	v10 =	vmul.f32 v10, v11;
	_ =	sdelay $0x1  }
0x22f: {  	[tilespmem:s21+$0x10] =	vst v10  }
0x230: {  	v10 =	vld [tilespmem:s22+$0x20];
	_ =	sdelay $0x2  }
0x231: {  	v11 =	vperm.xlane v9, v7;
	_ =	sdelay $0x1  }
0x232: {  	v10 =	vmul.f32 v10, v11;
	_ =	sdelay $0x1  }
0x233: {  	[tilespmem:s21+$0x20] =	vst v10  }
0x234: {  	v10 =	vld [tilespmem:s22+$0x30];
	_ =	sdelay $0x2  }
0x235: {  	v9 =	vperm.xlane v9, v8;
	_ =	sdelay $0x1  }
0x236: {  	v9 =	vmul.f32 v10, v9;
	_ =	sdelay $0x1  }
0x237: {  	s23 =	simm.s32 $0x80;
	s4 =	simm.s32 $0x10;
	[tilespmem:s21+$0x30] =	vst v9  }
.LBB2_9:
0x238: {  	p0 =	sne.s32 s23, $0xC40;
	v9 =	vld [tilespmem:s4+$0xB20]  }
0x239: {  	v10 =	vld [tilespmem:s4+$0x4E0];
	_ =	sdelay $0x3  }
0x23a: {  	v9 =	vperm.xlane v9, v0;
	_ =	sdelay $0x1  }
0x23b: {  	v9 =	vadd.f32 v9, v10;
	_ =	sdelay $0x1  }
0x23c: {  	v10 =	vmul.f32 $2.000000030e-01, v9  }
0x23d: {  	vm1 =	vgt.f32 v9, $0.0e+00  }
0x23e: {  	v9 =	vsel vm1, v9, v10  }
0x23f: {  	v9 =	vmul.f32 $1.442695020e+00, v9;
	_ =	sdelay $0x1  }
0x240: {  	(erf) = vpow2.f32 v9;
	_ =	sdelay $0x8  }
0x241: {  	v9 =	vpop (erf)  }
0x242: {  	s21 =	sadd.s32 $0x90, s21;
	v9 =	vnsel vm0, $0x0, v9  }
0x243: {  	s22 =	sadd.s32 $0x80, s22;
	[tilespmem:s21+$0x40] =	vst v9;
	v10 =	vperm.xlane v9, v2;
	v11 =	vperm.xlane v9, v4  }
0x244: {  	v13 =	vperm.xlane v9, v6;
	v14 =	vperm.xlane v9, v8;
	v12 =	vld [tilespmem:s22+$0xFFFFFFC0];
	_ =	sdelay $0x2  }
0x245: {  	v15 =	vperm.xlane v9, v1;
	_ =	sdelay $0x1  }
0x246: {  	v12 =	vmul.f32 v12, v15;
	_ =	sdelay $0x1  }
0x247: {  	[tilespmem:s21+$0xFFFFFFC0] =	vst v12  }
0x248: {  	v12 =	vld [tilespmem:s22+$0xFFFFFFD0];
	_ =	sdelay $0x4  }
0x249: {  	v10 =	vmul.f32 v12, v10;
	_ =	sdelay $0x1  }
0x24a: {  	[tilespmem:s21+$0xFFFFFFD0] =	vst v10  }
0x24b: {  	v10 =	vld [tilespmem:s22+$0xFFFFFFE0];
	_ =	sdelay $0x2  }
0x24c: {  	v12 =	vperm.xlane v9, v3;
	_ =	sdelay $0x1  }
0x24d: {  	v10 =	vmul.f32 v10, v12;
	_ =	sdelay $0x1  }
0x24e: {  	[tilespmem:s21+$0xFFFFFFE0] =	vst v10  }
0x24f: {  	v10 =	vld [tilespmem:s22+$0xFFFFFFF0];
	_ =	sdelay $0x4  }
0x250: {  	v10 =	vmul.f32 v10, v11;
	_ =	sdelay $0x1  }
0x251: {  	[tilespmem:s21+$0xFFFFFFF0] =	vst v10  }
0x252: {  	v10 =	vld [tilespmem:s22+$0x0];
	_ =	sdelay $0x2  }
0x253: {  	v11 =	vperm.xlane v9, v5;
	_ =	sdelay $0x1  }
0x254: {  	v10 =	vmul.f32 v10, v11;
	_ =	sdelay $0x1  }
0x255: {  	[tilespmem:s21+$0x0] =	vst v10  }
0x256: {  	v10 =	vld [tilespmem:s22+$0x10];
	_ =	sdelay $0x4  }
0x257: {  	v10 =	vmul.f32 v10, v13;
	_ =	sdelay $0x1  }
0x258: {  	[tilespmem:s21+$0x10] =	vst v10  }
0x259: {  	v10 =	vld [tilespmem:s22+$0x20];
	_ =	sdelay $0x2  }
0x25a: {  	v9 =	vperm.xlane v9, v7;
	_ =	sdelay $0x1  }
0x25b: {  	v9 =	vmul.f32 v10, v9;
	_ =	sdelay $0x1  }
0x25c: {  	[tilespmem:s21+$0x20] =	vst v9  }
0x25d: {  	v9 =	vld [tilespmem:s22+$0x30];
	_ =	sdelay $0x2  }
.Ltmp3:
0x25e: {  	(pc) =	sbr.rel @p0 .LBB2_9-.Ltmp3, $3  }
0x25f: {  	_ = 	snop  }
0x260: {  	v9 =	vmul.f32 v9, v14;
	_ =	sdelay $0x1  }
0x261: {  	s4 =	sshra.s32 s23, $0x2;
	s23 =	sadd.s32 $0x40, s23;
	[tilespmem:s21+$0x30] =	vst v9  }
0x262: {  	v9 =	vld [tilespmem:s4+$0xB20];
	_ =	sdelay $0x1  }
0x263: {  	v10 =	vld [tilespmem:s4+$0x4E0];
	_ =	sdelay $0x2  }
0x264: {  	v9 =	vperm.xlane v9, v0;
	_ =	sdelay $0x1  }
0x265: {  	v9 =	vadd.f32 v9, v10;
	_ =	sdelay $0x1  }
0x266: {  	v10 =	vmul.f32 $2.000000030e-01, v9  }
0x267: {  	vm1 =	vgt.f32 v9, $0.0e+00  }
0x268: {  	v9 =	vsel vm1, v9, v10  }
0x269: {  	v9 =	vmul.f32 $1.442695020e+00, v9;
	_ =	sdelay $0x1  }
0x26a: {  	(erf) = vpow2.f32 v9;
	_ =	sdelay $0x8  }
0x26b: {  	v9 =	vpop (erf)  }
0x26c: {  	s23 =	sadd.s32 $0x90, s21;
	v9 =	vnsel vm0, $0x0, v9  }
0x26d: {  	s24 =	sadd.s32 $0x80, s22;
	[tilespmem:s23+$0x40] =	vst v9  }
0x26e: {  	v10 =	vld [tilespmem:s24+$0xFFFFFFC0];
	_ =	sdelay $0x2  }
0x26f: {  	v11 =	vperm.xlane v9, v1;
	_ =	sdelay $0x1  }
0x270: {  	v10 =	vmul.f32 v10, v11;
	_ =	sdelay $0x1  }
0x271: {  	[tilespmem:s23+$0xFFFFFFC0] =	vst v10  }
0x272: {  	v10 =	vld [tilespmem:s24+$0xFFFFFFD0];
	_ =	sdelay $0x2  }
0x273: {  	v11 =	vperm.xlane v9, v2;
	_ =	sdelay $0x1  }
0x274: {  	v10 =	vmul.f32 v10, v11;
	_ =	sdelay $0x1  }
0x275: {  	[tilespmem:s23+$0xFFFFFFD0] =	vst v10  }
0x276: {  	v10 =	vld [tilespmem:s24+$0xFFFFFFE0];
	_ =	sdelay $0x2  }
0x277: {  	v11 =	vperm.xlane v9, v3;
	_ =	sdelay $0x1  }
0x278: {  	v10 =	vmul.f32 v10, v11;
	_ =	sdelay $0x1  }
0x279: {  	[tilespmem:s23+$0xFFFFFFE0] =	vst v10  }
0x27a: {  	v10 =	vld [tilespmem:s24+$0xFFFFFFF0];
	_ =	sdelay $0x2  }
0x27b: {  	v11 =	vperm.xlane v9, v4;
	_ =	sdelay $0x1  }
0x27c: {  	v10 =	vmul.f32 v10, v11;
	_ =	sdelay $0x1  }
0x27d: {  	[tilespmem:s23+$0xFFFFFFF0] =	vst v10  }
0x27e: {  	v10 =	vld [tilespmem:s24+$0x0];
	_ =	sdelay $0x2  }
0x27f: {  	v11 =	vperm.xlane v9, v5;
	_ =	sdelay $0x1  }
0x280: {  	v10 =	vmul.f32 v10, v11;
	_ =	sdelay $0x1  }
0x281: {  	[tilespmem:s23+$0x0] =	vst v10  }
0x282: {  	v10 =	vld [tilespmem:s24+$0x10];
	_ =	sdelay $0x2  }
0x283: {  	v11 =	vperm.xlane v9, v6;
	_ =	sdelay $0x1  }
0x284: {  	v10 =	vmul.f32 v10, v11;
	_ =	sdelay $0x1  }
0x285: {  	[tilespmem:s23+$0x10] =	vst v10  }
0x286: {  	v10 =	vld [tilespmem:s24+$0x20];
	_ =	sdelay $0x2  }
0x287: {  	v11 =	vperm.xlane v9, v7;
	_ =	sdelay $0x1  }
0x288: {  	v10 =	vmul.f32 v10, v11;
	_ =	sdelay $0x1  }
0x289: {  	[tilespmem:s23+$0x20] =	vst v10  }
0x28a: {  	v10 =	vld [tilespmem:s24+$0x30];
	_ =	sdelay $0x1  }
0x28b: {  	s18 =	sadd.s32 $0x1, s18  }
0x28c: {  	p0 =	sne.s32 s18, $0x32;
	v9 =	vperm.xlane v9, v8  }
.Ltmp4:
0x28d: {  	_ = 	snop;
	(pc) =	sbr.rel @p0 .LBB2_2-.Ltmp4, $3  }
0x28e: {  	v9 =	vmul.f32 v10, v9;
	_ =	sdelay $0x1  }
0x28f: {  	[tilespmem:s23+$0x30] =	vst v9  }
0x290: {  	[spmem:s3] =	stream.indirect.scatter.add.f32 [tilespmem:s16], [sflag:$0x4], $0x90, s9, s20, $0xb8;
	[tilespmem:$0x1E080] =	vst v63  }
0x291: {  	_ =	swait.ge [sflag:s8], $0x1C20  }
0x292: {  	[sflag:s8] =	ssyncset.done $0x0  }
0x293: {  	[sflag:s8] =	ssyncadd.s32 $0xFFFFE3E0  }
0x294: {  	_ =	swait.ge [sflag:s17], $0x1C20  }
0x295: {  	[sflag:s17] =	ssyncset.done $0x0  }
0x296: {  	[sflag:s17] =	ssyncadd.s32 $0xFFFFE3E0  }
0x297: {  	[bflag:$0x0] =	sbarrier.arrive $0xFFFF  }
0x298: {  	s18 =	rddreg [dreg:$0x6]  }
0x299: {  	s4 =	rddreg [dreg:$0x8]  }
0x29a: {  	s22 =	simm.s32 $0x6;
	s21 =	rddreg [dreg:$0xa]  }
0x29b: {  	[hbm:s4], [sflag:s18] =	dma.local [spmem:s21], $0x2D00  }
0x29c: {  	_ =	swait.ge [sflag:s22], $0x2D00  }
0x29d: {  	s23 =	rddreg [dreg:$0xb]  }
0x29e: {  	s24 =	rddreg [dreg:$0x9];
	s23 =	sadd.s32 $0x1, s23  }
0x29f: {  	p0 =	sne.s32 s23, s24  }
.Ltmp5:
0x2a0: {  	_ = 	snop;
	(pc) =	sbr.rel @p0 .LBB2_1-.Ltmp5, $3  }
0x2a1: {  	_ =	sdelay $0x1  }
0x2a2: {  	[sflag:s22] =	ssyncset.done $0x0  }
0x2a3: {  	[sflag:s22] =	ssyncadd.s32 $0xFFFFD300  }
0x2a4: {  	_ =	sfence.sel $0x180000  }
0x2a5: {  	[bflag:$0x0] =	sbarrier.arrive $0xFFFF  }
0x2a6: {  	_ =	strace $0x90000047  }
0x2a7: {  	s0 =	stileid.u32;
	[bflag:$0x2] =	sbarrier.arrive $0xFFFF  }
0x2a8: {  	p0 =	sne.s32 s0, $0x0;
	s0 =	rddreg [dreg:$0x3]  }
0x2a9: {  	s0 =	sadd.s32 @!p0 $0x100000, s0  }
0x2aa: {  	[sflag:s0] =	ssyncadd.tile.s32 @!p0 $0x1;
	_ =	shalt  }
.Lfunc_end2:
_tile_overlayer_lowered:
.L_overlay_start_2:
0x2ab: {  	(tag) =	ssettag $0x2  }
0x2ac: {  	s0 =	rddreg [dreg:$0x0];
	s2 =	stileid.u32  }
0x2ad: {  	s1 =	rddreg [dreg:$0x1];
	p0 =	sne.s32 s2, $0x0  }
0x2ae: {  	s3 =	rddreg [dreg:$0x2];
	[bflag:$0x3] =	sbarrier.arrive $0xFFFF;
	s2 =	simm.s32 @!p0 $0x1C06  }
0x2af: {  	[timem:s3], [sflag:s2] =	dma.local @!p0 [hbm:s0], s1  }
0x2b0: {  	s0 =	simm.s32 @!p0 $0x6  }
0x2b1: {  	_ =	swait.ge @!p0 [sflag:s0], s1  }
0x2b2: {  	s1 =	ssub.s32 @!p0 $0x0, s1;
	[sflag:s0] =	ssyncset.done @!p0 $0x0  }
0x2b3: {  	[sflag:s0] =	ssyncadd.s32 @!p0 s1  }
0x2b4: {  	[bflag:$0x3] =	sbarrier.arrive $0xFFFF  }
0x2b5: {  	_ =	shalt  }

</sc_bundles>
